<compile_context>
chip_gen: v7x
topology: tpu7x:2x2x1
jax: 0.10.2.dev20260603
libtpu: 0.0.44.dev20260713+nightly
codegen_flags: <defaults>
</compile_context>

<pallas_src>
import functools

import jax
import jax.numpy as jnp
from jax import lax
from jax.experimental import pallas as pl
from jax.experimental.pallas import tpu as pltpu
from jax.experimental.pallas import tpu_sc as plsc

N = 10000
E = 320000
R = 8
D_IN = 128
H = 16
C_OUT = 16

NC = 2
NS = 16
NW = NC * NS
CHUNK = 128
CH = 2 * (-(-E // (NW * CHUNK * 2)))
E_PAD = NW * CH * CHUNK

S_ROWS = N * R + 16
S_TRASH = N * R


def _sc_mesh():
    return plsc.VectorSubcoreMesh(
        core_axis_name="c", subcore_axis_name="s", num_cores=NC, num_subcores=NS
    )


def _edge_pass(table, gidx, sidx, ones, zeros, with_counts):
    stripe = S_ROWS // NS
    out_t = jax.ShapeDtypeStruct((NC, S_ROWS, 16), jnp.float32)

    @functools.partial(
        pl.kernel,
        out_type=(out_t, out_t) if with_counts else out_t,
        mesh=_sc_mesh(),
        scratch_types=[
            pltpu.VMEM_SHARED((S_ROWS, 16), jnp.float32),
            pltpu.VMEM((CH, CHUNK), jnp.int32),
            pltpu.VMEM((CH, CHUNK), jnp.int32),
            pltpu.VMEM((CHUNK, 16), jnp.float32),
            pltpu.VMEM((CHUNK, 16), jnp.float32),
            pltpu.SemaphoreType.DMA,
        ],
        compiler_params=pltpu.CompilerParams(use_tc_tiling_on_sc=False),
    )
    def kern(table_hbm, gidx_hbm, sidx_hbm, ones_hbm, zeros_hbm, *refs):
        if with_counts:
            cout_hbm, sout_hbm, acc, gidx_v, sidx_v, rows_v, ones_v, gsem = refs
        else:
            sout_hbm, acc, gidx_v, sidx_v, rows_v, ones_v, gsem = refs
        c = lax.axis_index("c")
        s = lax.axis_index("s")
        wid = c * NS + s
        row0 = s * stripe

        def zero_acc():
            pltpu.sync_copy(zeros_hbm.at[pl.ds(row0, stripe)],
                            acc.at[pl.ds(row0, stripe)])

        def readout(dst_hbm):
            pltpu.sync_copy(acc.at[pl.ds(row0, stripe)],
                            dst_hbm.at[c, pl.ds(row0, stripe)])

        zero_acc()
        pltpu.sync_copy(gidx_hbm.at[wid], gidx_v)
        pltpu.sync_copy(sidx_hbm.at[wid], sidx_v)
        if with_counts:
            pltpu.sync_copy(ones_hbm, ones_v)
        plsc.subcore_barrier()

        if with_counts:
            def cbody(j, carry):
                pltpu.sync_copy(ones_v, acc.at[sidx_v.at[j]], add=True)
                return carry

            lax.fori_loop(0, CH, cbody, 0)
            plsc.subcore_barrier()
            readout(cout_hbm)
            plsc.subcore_barrier()
            zero_acc()
            plsc.subcore_barrier()

        def body(j, carry):
            pltpu.async_copy(table_hbm.at[gidx_v.at[j]], rows_v, gsem).wait()
            pltpu.sync_copy(rows_v, acc.at[sidx_v.at[j]], add=True)
            return carry

        lax.fori_loop(0, CH, body, 0)
        plsc.subcore_barrier()
        readout(sout_hbm)

    return kern(table, gidx, sidx, ones, zeros)


def _prep_kernel(x_ref, wcat_ref, root_ref, b_ref, xw_ref, base_ref):
    x = x_ref[...]
    xw_ref[...] = jnp.dot(x, wcat_ref[...], preferred_element_type=jnp.float32)
    base_ref[...] = (
        jnp.dot(x, root_ref[...], preferred_element_type=jnp.float32)
        + b_ref[...]
    )


def _prep(x, wcat, root, b, d_in, blk):
    grid = N // blk
    return pl.pallas_call(
        _prep_kernel,
        grid=(grid,),
        in_specs=[
            pl.BlockSpec((blk, d_in), lambda i: (i, 0)),
            pl.BlockSpec((d_in, R * H), lambda i: (0, 0)),
            pl.BlockSpec((d_in, H), lambda i: (0, 0)),
            pl.BlockSpec((1, H), lambda i: (0, 0)),
        ],
        out_specs=[
            pl.BlockSpec((blk, R * H), lambda i: (i, 0)),
            pl.BlockSpec((blk, H), lambda i: (i, 0)),
        ],
        out_shape=[
            jax.ShapeDtypeStruct((N, R * H), jnp.float32),
            jax.ShapeDtypeStruct((N, H), jnp.float32),
        ],
    )(x, wcat, root, b)


def _agg_message(s_ref, c_ref, blk):
    svals = s_ref[0] + s_ref[1]
    cnt = c_ref[0] + c_ref[1]
    scaled = svals * (1.0 / jnp.maximum(cnt, 1.0))
    msg = scaled[:, 0:16]
    for r in range(1, R):
        msg = msg + scaled[:, r * 16 : (r + 1) * 16]
    return msg


def _mid_kernel(s_ref, c_ref, base_ref, wcat_ref, root_ref, b_ref,
                hw_ref, base2_ref):
    blk = base_ref.shape[0]
    h = jax.nn.relu(base_ref[...] + _agg_message(s_ref, c_ref, blk))
    hw_ref[...] = jnp.dot(h, wcat_ref[...], preferred_element_type=jnp.float32)
    base2_ref[...] = (
        jnp.dot(h, root_ref[...], preferred_element_type=jnp.float32)
        + b_ref[...]
    )


def _final_kernel(s_ref, c_ref, base_ref, out_ref):
    out_ref[...] = base_ref[...] + _agg_message(s_ref, c_ref, base_ref.shape[0])


def kernel(x, edge_index, edge_type, W1, root1, b1, W2, root2, b2):
    src = edge_index[0].astype(jnp.int32)
    dst = edge_index[1].astype(jnp.int32)
    et = edge_type.astype(jnp.int32)

    gidx = src * R + et
    sidx = dst * R + et
    pad = E_PAD - E
    gidx = jnp.concatenate([gidx, jnp.zeros((pad,), jnp.int32)])
    sidx = jnp.concatenate([sidx, jnp.full((pad,), S_TRASH, jnp.int32)])
    gidx = gidx.reshape(NW, CH, CHUNK)
    sidx = sidx.reshape(NW, CH, CHUNK)

    wcat1 = W1.transpose(1, 0, 2).reshape(D_IN, R * H).astype(jnp.float32)
    wcat2 = W2.transpose(1, 0, 2).reshape(H, R * C_OUT).astype(jnp.float32)

    zeros_s = jnp.zeros((S_ROWS, 16), jnp.float32)
    ones_c = jnp.ones((CHUNK, 16), jnp.float32)

    xw1, base1 = _prep(x, wcat1, root1.astype(jnp.float32),
                       b1.reshape(1, H).astype(jnp.float32), D_IN, 1000)
    cacc, s1 = _edge_pass(xw1.reshape(N * R, 16), gidx, sidx, ones_c,
                          zeros_s, with_counts=True)

    blk = 1000
    full = lambda shape: pl.BlockSpec(shape, lambda i: (0, 0))
    rowblk = lambda w: pl.BlockSpec((blk, w), lambda i: (i, 0))
    accblk = pl.BlockSpec((NC, blk, 128), lambda i: (0, i, 0))
    s1v = s1.reshape(NC, S_ROWS * 16 // 128, 128)
    cav = cacc.reshape(NC, S_ROWS * 16 // 128, 128)

    hw2, base2 = pl.pallas_call(
        _mid_kernel,
        grid=(N // blk,),
        in_specs=[
            accblk, accblk,
            rowblk(H), full((H, R * C_OUT)), full((H, C_OUT)), full((1, C_OUT)),
        ],
        out_specs=[rowblk(R * C_OUT), rowblk(C_OUT)],
        out_shape=[
            jax.ShapeDtypeStruct((N, R * C_OUT), jnp.float32),
            jax.ShapeDtypeStruct((N, C_OUT), jnp.float32),
        ],
    )(s1v, cav, base1, wcat2, root2.astype(jnp.float32),
      b2.reshape(1, C_OUT).astype(jnp.float32))

    s2 = _edge_pass(hw2.reshape(N * R, 16), gidx, sidx, ones_c, zeros_s,
                    with_counts=False)

    out = pl.pallas_call(
        _final_kernel,
        grid=(N // blk,),
        in_specs=[accblk, accblk, rowblk(C_OUT)],
        out_specs=rowblk(C_OUT),
        out_shape=jax.ShapeDtypeStruct((N, C_OUT), jnp.float32),
    )(s2.reshape(NC, S_ROWS * 16 // 128, 128), cav, base2)

    return out

# --- scband reference (transcript-rebuilt; emitter-appended) ---
"""Pipeline reference for scband-net-5497558139551 (READ-ONLY COPY).

The authoritative reference and input builder live on the scoring server;
editing this copy changes nothing except your own understanding.
"""

import jax, jax.numpy as jnp
import numpy as np

N = 10000
E = 320000
R = 8
D_IN = 128
H = 16
NUM_CLASSES = 16


def setup_inputs(seed: int = 0) -> dict:
    key = jax.random.key(seed)
    ks = jax.random.split(key, 10)
    x = jax.random.normal(ks[0], (N, D_IN), dtype=jnp.float32)
    edge_index = jax.random.randint(ks[1], (2, E), 0, N, dtype=jnp.int64)
    edge_type = jax.random.randint(ks[2], (E,), 0, R, dtype=jnp.int64)
    W1 = jax.random.normal(ks[3], (R, D_IN, H), dtype=jnp.float32) * 0.05
    root1 = jax.random.normal(ks[4], (D_IN, H), dtype=jnp.float32) * 0.05
    b1 = jnp.zeros((H,), dtype=jnp.float32)
    W2 = jax.random.normal(ks[5], (R, H, NUM_CLASSES), dtype=jnp.float32) * 0.05
    root2 = jax.random.normal(ks[6], (H, NUM_CLASSES), dtype=jnp.float32) * 0.05
    b2 = jnp.zeros((NUM_CLASSES,), dtype=jnp.float32)
    return {"x": x, "edge_index": edge_index, "edge_type": edge_type,
            "W1": W1, "root1": root1, "b1": b1,
            "W2": W2, "root2": root2, "b2": b2}


def _rgcn_layer(x, edge_index, edge_type, W, root, b):
    # PyG RGCNConv: out_i = root @ x_i + b + sum_r mean_{j in N_r(i)} W_r @ x_j
    src = edge_index[0]
    dst = edge_index[1]
    n = x.shape[0]
    out = x @ root + b
    x_src = jnp.take(x, src, axis=0)
    for r in range(R):
        mask = (edge_type == r).astype(x.dtype)
        msg = x_src * mask[:, None]
        agg = jax.ops.segment_sum(msg, dst, num_segments=n)
        cnt = jax.ops.segment_sum(mask, dst, num_segments=n)
        agg = agg / jnp.clip(cnt, 1.0, None)[:, None]
        out = out + agg @ W[r]
    return out


def reference(x, edge_index, edge_type, W1, root1, b1, W2, root2, b2):
    h = _rgcn_layer(x, edge_index, edge_type, W1, root1, b1)
    h = jax.nn.relu(h)
    out = _rgcn_layer(h, edge_index, edge_type, W2, root2, b2)
    return out

if __name__ == "__main__":
    import jax
    _d = setup_inputs()
    print(jax.jit(kernel)(*tuple(_d.values())))

</pallas_src>

<mosaic_0001>
#map = affine_map<(d0, d1) -> (0, 0)>
#map1 = affine_map<(d0, d1) -> (0, 0, 0)>
module attributes {stable_mosaic.version = 14 : i64} {
  func.func @kern(%arg0: i32, %arg1: i32, %arg2: memref<80000x16xf32, #tpu.memory_space<hbm>>, %arg3: memref<32x80x128xi32, #tpu.memory_space<hbm>>, %arg4: memref<32x80x128xi32, #tpu.memory_space<hbm>>, %arg5: memref<128x16xf32, #tpu.memory_space<hbm>>, %arg6: memref<80016x16xf32, #tpu.memory_space<hbm>>, %arg7: memref<2x80016x16xf32, #tpu.memory_space<hbm>>, %arg8: memref<2x80016x16xf32, #tpu.memory_space<hbm>>, %arg9: memref<80016x16xf32, #tpu.memory_space<vmem_shared>>, %arg10: memref<80x128xi32, #tpu.memory_space<vmem>>, %arg11: memref<80x128xi32, #tpu.memory_space<vmem>>, %arg12: memref<128x16xf32, #tpu.memory_space<vmem>>, %arg13: memref<128x16xf32, #tpu.memory_space<vmem>>, %arg14: memref<!tpu.dma_semaphore, #tpu.memory_space<semaphore_mem>>) attributes {dimension_semantics = [#tpu.dimension_semantics<core_parallel>, #tpu.dimension_semantics<subcore_parallel>], iteration_bounds = array<i64: 2, 16>, scalar_prefetch = 0 : i64, scratch_operands = 6 : i64, tpu.core_type = #tpu.core_type<sc_vector_subcore>, window_params = [{transform_indices = #map}, {transform_indices = #map1}, {transform_indices = #map1}, {transform_indices = #map}, {transform_indices = #map}, {transform_indices = #map1}, {transform_indices = #map1}]} {
    %mul3A = arith.constant 16 : i32
    %mul3A_0 = arith.muli %arg0, %mul3A : i32
    %add3A = arith.addi %mul3A_0, %arg1 : i32
    %mul3A_1 = arith.constant 5001 : i32
    %mul3A_2 = arith.muli %arg1, %mul3A_1 : i32
    "tpu.region"() ({
      %run_scoped3A = tpu.sem_alloc : memref<!tpu.dma_semaphore, #tpu.memory_space<semaphore_mem>>
      %dma_start3A = arith.constant 0 : i32
      %dma_start3A_18 = tpu.memref_slice %arg9[%mul3A_2, %dma_start3A] : memref<80016x16xf32, #tpu.memory_space<vmem_shared>> -> memref<5001x16xf32, #tpu.memory_space<vmem_shared>>
      %dma_start3A_19 = arith.constant 0 : i32
      %dma_start3A_20 = tpu.memref_slice %arg6[%mul3A_2, %dma_start3A_19] : memref<80016x16xf32, #tpu.memory_space<hbm>> -> memref<5001x16xf32, #tpu.memory_space<hbm>>
      tpu.enqueue_dma source(%dma_start3A_20 : memref<5001x16xf32, #tpu.memory_space<hbm>>) target(%dma_start3A_18 : memref<5001x16xf32, #tpu.memory_space<vmem_shared>>) target_semaphore(%run_scoped3A : memref<!tpu.dma_semaphore, #tpu.memory_space<semaphore_mem>>)
      %dma_wait3A = arith.constant 0 : i32
      %dma_wait3A_21 = tpu.memref_slice %arg9[%mul3A_2, %dma_wait3A] : memref<80016x16xf32, #tpu.memory_space<vmem_shared>> -> memref<5001x16xf32, #tpu.memory_space<vmem_shared>>
      %dma_wait3A_22 = arith.constant 0 : i32
      %dma_wait3A_23 = tpu.memref_slice %arg6[%mul3A_2, %dma_wait3A_22] : memref<80016x16xf32, #tpu.memory_space<hbm>> -> memref<5001x16xf32, #tpu.memory_space<hbm>>
      tpu.wait_dma2 semaphore(%run_scoped3A : memref<!tpu.dma_semaphore, #tpu.memory_space<semaphore_mem>>) src(%dma_wait3A_23 : memref<5001x16xf32, #tpu.memory_space<hbm>>) dst(%dma_wait3A_21 : memref<5001x16xf32, #tpu.memory_space<vmem_shared>>)
      tpu.yield
    }) : () -> ()
    "tpu.region"() ({
      %run_scoped3A = tpu.sem_alloc : memref<!tpu.dma_semaphore, #tpu.memory_space<semaphore_mem>>
      %dma_start3A = arith.constant 0 : i32
      %dma_start3A_18 = arith.constant 0 : i32
      %dma_start3A_19 = tpu.memref_slice %arg3[%add3A, %dma_start3A, %dma_start3A_18] : memref<32x80x128xi32, #tpu.memory_space<hbm>> -> memref<1x80x128xi32, #tpu.memory_space<hbm>>
      %dma_start3A_20 = tpu.memref_squeeze %dma_start3A_19 : memref<1x80x128xi32, #tpu.memory_space<hbm>> -> memref<80x128xi32, #tpu.memory_space<hbm>>
      %dma_start3A_21 = arith.constant 0 : i32
      %dma_start3A_22 = arith.constant 0 : i32
      %dma_start3A_23 = tpu.memref_slice %arg3[%add3A, %dma_start3A_21, %dma_start3A_22] : memref<32x80x128xi32, #tpu.memory_space<hbm>> -> memref<1x80x128xi32, #tpu.memory_space<hbm>>
      %dma_start3A_24 = tpu.memref_squeeze %dma_start3A_23 : memref<1x80x128xi32, #tpu.memory_space<hbm>> -> memref<80x128xi32, #tpu.memory_space<hbm>>
      tpu.enqueue_dma source(%dma_start3A_24 : memref<80x128xi32, #tpu.memory_space<hbm>>) target(%arg10 : memref<80x128xi32, #tpu.memory_space<vmem>>) target_semaphore(%run_scoped3A : memref<!tpu.dma_semaphore, #tpu.memory_space<semaphore_mem>>)
      %dma_wait3A = arith.constant 0 : i32
      %dma_wait3A_25 = arith.constant 0 : i32
      %dma_wait3A_26 = tpu.memref_slice %arg3[%add3A, %dma_wait3A, %dma_wait3A_25] : memref<32x80x128xi32, #tpu.memory_space<hbm>> -> memref<1x80x128xi32, #tpu.memory_space<hbm>>
      %dma_wait3A_27 = tpu.memref_squeeze %dma_wait3A_26 : memref<1x80x128xi32, #tpu.memory_space<hbm>> -> memref<80x128xi32, #tpu.memory_space<hbm>>
      %dma_wait3A_28 = arith.constant 0 : i32
      %dma_wait3A_29 = arith.constant 0 : i32
      %dma_wait3A_30 = tpu.memref_slice %arg3[%add3A, %dma_wait3A_28, %dma_wait3A_29] : memref<32x80x128xi32, #tpu.memory_space<hbm>> -> memref<1x80x128xi32, #tpu.memory_space<hbm>>
      %dma_wait3A_31 = tpu.memref_squeeze %dma_wait3A_30 : memref<1x80x128xi32, #tpu.memory_space<hbm>> -> memref<80x128xi32, #tpu.memory_space<hbm>>
      tpu.wait_dma2 semaphore(%run_scoped3A : memref<!tpu.dma_semaphore, #tpu.memory_space<semaphore_mem>>) src(%dma_wait3A_31 : memref<80x128xi32, #tpu.memory_space<hbm>>) dst(%arg10 : memref<80x128xi32, #tpu.memory_space<vmem>>)
      tpu.yield
    }) : () -> ()
    "tpu.region"() ({
      %run_scoped3A = tpu.sem_alloc : memref<!tpu.dma_semaphore, #tpu.memory_space<semaphore_mem>>
      %dma_start3A = arith.constant 0 : i32
      %dma_start3A_18 = arith.constant 0 : i32
      %dma_start3A_19 = tpu.memref_slice %arg4[%add3A, %dma_start3A, %dma_start3A_18] : memref<32x80x128xi32, #tpu.memory_space<hbm>> -> memref<1x80x128xi32, #tpu.memory_space<hbm>>
      %dma_start3A_20 = tpu.memref_squeeze %dma_start3A_19 : memref<1x80x128xi32, #tpu.memory_space<hbm>> -> memref<80x128xi32, #tpu.memory_space<hbm>>
      %dma_start3A_21 = arith.constant 0 : i32
      %dma_start3A_22 = arith.constant 0 : i32
      %dma_start3A_23 = tpu.memref_slice %arg4[%add3A, %dma_start3A_21, %dma_start3A_22] : memref<32x80x128xi32, #tpu.memory_space<hbm>> -> memref<1x80x128xi32, #tpu.memory_space<hbm>>
      %dma_start3A_24 = tpu.memref_squeeze %dma_start3A_23 : memref<1x80x128xi32, #tpu.memory_space<hbm>> -> memref<80x128xi32, #tpu.memory_space<hbm>>
      tpu.enqueue_dma source(%dma_start3A_24 : memref<80x128xi32, #tpu.memory_space<hbm>>) target(%arg11 : memref<80x128xi32, #tpu.memory_space<vmem>>) target_semaphore(%run_scoped3A : memref<!tpu.dma_semaphore, #tpu.memory_space<semaphore_mem>>)
      %dma_wait3A = arith.constant 0 : i32
      %dma_wait3A_25 = arith.constant 0 : i32
      %dma_wait3A_26 = tpu.memref_slice %arg4[%add3A, %dma_wait3A, %dma_wait3A_25] : memref<32x80x128xi32, #tpu.memory_space<hbm>> -> memref<1x80x128xi32, #tpu.memory_space<hbm>>
      %dma_wait3A_27 = tpu.memref_squeeze %dma_wait3A_26 : memref<1x80x128xi32, #tpu.memory_space<hbm>> -> memref<80x128xi32, #tpu.memory_space<hbm>>
      %dma_wait3A_28 = arith.constant 0 : i32
      %dma_wait3A_29 = arith.constant 0 : i32
      %dma_wait3A_30 = tpu.memref_slice %arg4[%add3A, %dma_wait3A_28, %dma_wait3A_29] : memref<32x80x128xi32, #tpu.memory_space<hbm>> -> memref<1x80x128xi32, #tpu.memory_space<hbm>>
      %dma_wait3A_31 = tpu.memref_squeeze %dma_wait3A_30 : memref<1x80x128xi32, #tpu.memory_space<hbm>> -> memref<80x128xi32, #tpu.memory_space<hbm>>
      tpu.wait_dma2 semaphore(%run_scoped3A : memref<!tpu.dma_semaphore, #tpu.memory_space<semaphore_mem>>) src(%dma_wait3A_31 : memref<80x128xi32, #tpu.memory_space<hbm>>) dst(%arg11 : memref<80x128xi32, #tpu.memory_space<vmem>>)
      tpu.yield
    }) : () -> ()
    "tpu.region"() ({
      %run_scoped3A = tpu.sem_alloc : memref<!tpu.dma_semaphore, #tpu.memory_space<semaphore_mem>>
      tpu.enqueue_dma source(%arg5 : memref<128x16xf32, #tpu.memory_space<hbm>>) target(%arg13 : memref<128x16xf32, #tpu.memory_space<vmem>>) target_semaphore(%run_scoped3A : memref<!tpu.dma_semaphore, #tpu.memory_space<semaphore_mem>>)
      tpu.wait_dma2 semaphore(%run_scoped3A : memref<!tpu.dma_semaphore, #tpu.memory_space<semaphore_mem>>) src(%arg5 : memref<128x16xf32, #tpu.memory_space<hbm>>) dst(%arg13 : memref<128x16xf32, #tpu.memory_space<vmem>>)
      tpu.yield
    }) : () -> ()
    %barrier3A = arith.constant 0 : index
    tpu.barrier barrier_id(%barrier3A)
    %scan3A = arith.constant 0 : i32
    %scan3A_3 = arith.constant 0 : i32
    %scan3A_4 = arith.constant 80 : i32
    %scan3A_5 = arith.addi %scan3A_3, %scan3A_4 : i32
    %scan3A_6 = arith.constant 1 : i32
    scf.for %scan3A_18 = %scan3A_3 to %scan3A_5 step %scan3A_6  : i32 {
      "tpu.region"() ({
        %run_scoped3A = tpu.sem_alloc : memref<!tpu.dma_semaphore, #tpu.memory_space<semaphore_mem>>
        %dma_start3A = arith.constant 0 : i32
        %dma_start3A_19 = tpu.memref_slice %arg11[%scan3A_18, %dma_start3A] : memref<80x128xi32, #tpu.memory_space<vmem>> -> memref<1x128xi32, #tpu.memory_space<vmem>>
        %dma_start3A_20 = tpu.memref_squeeze %dma_start3A_19 : memref<1x128xi32, #tpu.memory_space<vmem>> -> memref<128xi32, #tpu.memory_space<vmem>>
        %dma_start3A_21 = arith.constant 0 : i32
        %dma_start3A_22 = arith.constant 0 : i32
        %dma_start3A_23 = tpu.memref_slice %arg9[%dma_start3A_21, %dma_start3A_22] : memref<80016x16xf32, #tpu.memory_space<vmem_shared>> -> memref<80016x16xf32, #tpu.memory_space<vmem_shared>>
        tpu.enqueue_indirect_dma source(%arg13 : memref<128x16xf32, #tpu.memory_space<vmem>>) target(%dma_start3A_23 : memref<80016x16xf32, #tpu.memory_space<vmem_shared>>) offsets(%dma_start3A_20 : memref<128xi32, #tpu.memory_space<vmem>>) semaphore(%run_scoped3A : memref<!tpu.dma_semaphore, #tpu.memory_space<semaphore_mem>>) {add = true}
        %dma_wait3A = arith.constant 0 : i32
        %dma_wait3A_24 = tpu.memref_slice %arg11[%scan3A_18, %dma_wait3A] : memref<80x128xi32, #tpu.memory_space<vmem>> -> memref<1x128xi32, #tpu.memory_space<vmem>>
        %dma_wait3A_25 = tpu.memref_squeeze %dma_wait3A_24 : memref<1x128xi32, #tpu.memory_space<vmem>> -> memref<128xi32, #tpu.memory_space<vmem>>
        %dma_wait3A_26 = arith.constant 0 : i32
        %dma_wait3A_27 = arith.constant 0 : i32
        %dma_wait3A_28 = tpu.memref_slice %arg9[%dma_wait3A_26, %dma_wait3A_27] : memref<80016x16xf32, #tpu.memory_space<vmem_shared>> -> memref<80016x16xf32, #tpu.memory_space<vmem_shared>>
        tpu.wait_indirect_dma semaphore(%run_scoped3A : memref<!tpu.dma_semaphore, #tpu.memory_space<semaphore_mem>>) src(%arg13 : memref<128x16xf32, #tpu.memory_space<vmem>>) dst(%dma_wait3A_28 : memref<80016x16xf32, #tpu.memory_space<vmem_shared>>)
        tpu.yield
      }) : () -> ()
    }
    %scan3A_7 = arith.constant 80 : i32
    %barrier3A_8 = arith.constant 0 : index
    tpu.barrier barrier_id(%barrier3A_8)
    "tpu.region"() ({
      %run_scoped3A = tpu.sem_alloc : memref<!tpu.dma_semaphore, #tpu.memory_space<semaphore_mem>>
      %dma_start3A = arith.constant 0 : i32
      %dma_start3A_18 = tpu.memref_slice %arg7[%arg0, %mul3A_2, %dma_start3A] : memref<2x80016x16xf32, #tpu.memory_space<hbm>> -> memref<1x5001x16xf32, #tpu.memory_space<hbm>>
      %dma_start3A_19 = tpu.memref_squeeze %dma_start3A_18 : memref<1x5001x16xf32, #tpu.memory_space<hbm>> -> memref<5001x16xf32, #tpu.memory_space<hbm>>
      %dma_start3A_20 = arith.constant 0 : i32
      %dma_start3A_21 = tpu.memref_slice %arg9[%mul3A_2, %dma_start3A_20] : memref<80016x16xf32, #tpu.memory_space<vmem_shared>> -> memref<5001x16xf32, #tpu.memory_space<vmem_shared>>
      tpu.enqueue_dma source(%dma_start3A_21 : memref<5001x16xf32, #tpu.memory_space<vmem_shared>>) target(%dma_start3A_19 : memref<5001x16xf32, #tpu.memory_space<hbm>>) target_semaphore(%run_scoped3A : memref<!tpu.dma_semaphore, #tpu.memory_space<semaphore_mem>>)
      %dma_wait3A = arith.constant 0 : i32
      %dma_wait3A_22 = tpu.memref_slice %arg7[%arg0, %mul3A_2, %dma_wait3A] : memref<2x80016x16xf32, #tpu.memory_space<hbm>> -> memref<1x5001x16xf32, #tpu.memory_space<hbm>>
      %dma_wait3A_23 = tpu.memref_squeeze %dma_wait3A_22 : memref<1x5001x16xf32, #tpu.memory_space<hbm>> -> memref<5001x16xf32, #tpu.memory_space<hbm>>
      %dma_wait3A_24 = arith.constant 0 : i32
      %dma_wait3A_25 = tpu.memref_slice %arg9[%mul3A_2, %dma_wait3A_24] : memref<80016x16xf32, #tpu.memory_space<vmem_shared>> -> memref<5001x16xf32, #tpu.memory_space<vmem_shared>>
      tpu.wait_dma2 semaphore(%run_scoped3A : memref<!tpu.dma_semaphore, #tpu.memory_space<semaphore_mem>>) src(%dma_wait3A_25 : memref<5001x16xf32, #tpu.memory_space<vmem_shared>>) dst(%dma_wait3A_23 : memref<5001x16xf32, #tpu.memory_space<hbm>>)
      tpu.yield
    }) : () -> ()
    %barrier3A_9 = arith.constant 0 : index
    tpu.barrier barrier_id(%barrier3A_9)
    "tpu.region"() ({
      %run_scoped3A = tpu.sem_alloc : memref<!tpu.dma_semaphore, #tpu.memory_space<semaphore_mem>>
      %dma_start3A = arith.constant 0 : i32
      %dma_start3A_18 = tpu.memref_slice %arg9[%mul3A_2, %dma_start3A] : memref<80016x16xf32, #tpu.memory_space<vmem_shared>> -> memref<5001x16xf32, #tpu.memory_space<vmem_shared>>
      %dma_start3A_19 = arith.constant 0 : i32
      %dma_start3A_20 = tpu.memref_slice %arg6[%mul3A_2, %dma_start3A_19] : memref<80016x16xf32, #tpu.memory_space<hbm>> -> memref<5001x16xf32, #tpu.memory_space<hbm>>
      tpu.enqueue_dma source(%dma_start3A_20 : memref<5001x16xf32, #tpu.memory_space<hbm>>) target(%dma_start3A_18 : memref<5001x16xf32, #tpu.memory_space<vmem_shared>>) target_semaphore(%run_scoped3A : memref<!tpu.dma_semaphore, #tpu.memory_space<semaphore_mem>>)
      %dma_wait3A = arith.constant 0 : i32
      %dma_wait3A_21 = tpu.memref_slice %arg9[%mul3A_2, %dma_wait3A] : memref<80016x16xf32, #tpu.memory_space<vmem_shared>> -> memref<5001x16xf32, #tpu.memory_space<vmem_shared>>
      %dma_wait3A_22 = arith.constant 0 : i32
      %dma_wait3A_23 = tpu.memref_slice %arg6[%mul3A_2, %dma_wait3A_22] : memref<80016x16xf32, #tpu.memory_space<hbm>> -> memref<5001x16xf32, #tpu.memory_space<hbm>>
      tpu.wait_dma2 semaphore(%run_scoped3A : memref<!tpu.dma_semaphore, #tpu.memory_space<semaphore_mem>>) src(%dma_wait3A_23 : memref<5001x16xf32, #tpu.memory_space<hbm>>) dst(%dma_wait3A_21 : memref<5001x16xf32, #tpu.memory_space<vmem_shared>>)
      tpu.yield
    }) : () -> ()
    %barrier3A_10 = arith.constant 0 : index
    tpu.barrier barrier_id(%barrier3A_10)
    %scan3A_11 = arith.constant 0 : i32
    %scan3A_12 = arith.constant 0 : i32
    %scan3A_13 = arith.constant 80 : i32
    %scan3A_14 = arith.addi %scan3A_12, %scan3A_13 : i32
    %scan3A_15 = arith.constant 1 : i32
    scf.for %scan3A_18 = %scan3A_12 to %scan3A_14 step %scan3A_15  : i32 {
      %dma_start3A = arith.constant 0 : i32
      %dma_start3A_19 = tpu.memref_slice %arg10[%scan3A_18, %dma_start3A] : memref<80x128xi32, #tpu.memory_space<vmem>> -> memref<1x128xi32, #tpu.memory_space<vmem>>
      %dma_start3A_20 = tpu.memref_squeeze %dma_start3A_19 : memref<1x128xi32, #tpu.memory_space<vmem>> -> memref<128xi32, #tpu.memory_space<vmem>>
      %dma_start3A_21 = arith.constant 0 : i32
      %dma_start3A_22 = arith.constant 0 : i32
      %dma_start3A_23 = tpu.memref_slice %arg2[%dma_start3A_21, %dma_start3A_22] : memref<80000x16xf32, #tpu.memory_space<hbm>> -> memref<80000x16xf32, #tpu.memory_space<hbm>>
      tpu.enqueue_indirect_dma source(%dma_start3A_23 : memref<80000x16xf32, #tpu.memory_space<hbm>>) target(%arg12 : memref<128x16xf32, #tpu.memory_space<vmem>>) offsets(%dma_start3A_20 : memref<128xi32, #tpu.memory_space<vmem>>) semaphore(%arg14 : memref<!tpu.dma_semaphore, #tpu.memory_space<semaphore_mem>>)
      %dma_wait3A = arith.constant 0 : i32
      %dma_wait3A_24 = tpu.memref_slice %arg10[%scan3A_18, %dma_wait3A] : memref<80x128xi32, #tpu.memory_space<vmem>> -> memref<1x128xi32, #tpu.memory_space<vmem>>
      %dma_wait3A_25 = tpu.memref_squeeze %dma_wait3A_24 : memref<1x128xi32, #tpu.memory_space<vmem>> -> memref<128xi32, #tpu.memory_space<vmem>>
      %dma_wait3A_26 = arith.constant 0 : i32
      %dma_wait3A_27 = arith.constant 0 : i32
      %dma_wait3A_28 = tpu.memref_slice %arg2[%dma_wait3A_26, %dma_wait3A_27] : memref<80000x16xf32, #tpu.memory_space<hbm>> -> memref<80000x16xf32, #tpu.memory_space<hbm>>
      tpu.wait_indirect_dma semaphore(%arg14 : memref<!tpu.dma_semaphore, #tpu.memory_space<semaphore_mem>>) src(%dma_wait3A_28 : memref<80000x16xf32, #tpu.memory_space<hbm>>) dst(%arg12 : memref<128x16xf32, #tpu.memory_space<vmem>>)
      "tpu.region"() ({
        %run_scoped3A = tpu.sem_alloc : memref<!tpu.dma_semaphore, #tpu.memory_space<semaphore_mem>>
        %dma_start3A_29 = arith.constant 0 : i32
        %dma_start3A_30 = tpu.memref_slice %arg11[%scan3A_18, %dma_start3A_29] : memref<80x128xi32, #tpu.memory_space<vmem>> -> memref<1x128xi32, #tpu.memory_space<vmem>>
        %dma_start3A_31 = tpu.memref_squeeze %dma_start3A_30 : memref<1x128xi32, #tpu.memory_space<vmem>> -> memref<128xi32, #tpu.memory_space<vmem>>
        %dma_start3A_32 = arith.constant 0 : i32
        %dma_start3A_33 = arith.constant 0 : i32
        %dma_start3A_34 = tpu.memref_slice %arg9[%dma_start3A_32, %dma_start3A_33] : memref<80016x16xf32, #tpu.memory_space<vmem_shared>> -> memref<80016x16xf32, #tpu.memory_space<vmem_shared>>
        tpu.enqueue_indirect_dma source(%arg12 : memref<128x16xf32, #tpu.memory_space<vmem>>) target(%dma_start3A_34 : memref<80016x16xf32, #tpu.memory_space<vmem_shared>>) offsets(%dma_start3A_31 : memref<128xi32, #tpu.memory_space<vmem>>) semaphore(%run_scoped3A : memref<!tpu.dma_semaphore, #tpu.memory_space<semaphore_mem>>) {add = true}
        %dma_wait3A_35 = arith.constant 0 : i32
        %dma_wait3A_36 = tpu.memref_slice %arg11[%scan3A_18, %dma_wait3A_35] : memref<80x128xi32, #tpu.memory_space<vmem>> -> memref<1x128xi32, #tpu.memory_space<vmem>>
        %dma_wait3A_37 = tpu.memref_squeeze %dma_wait3A_36 : memref<1x128xi32, #tpu.memory_space<vmem>> -> memref<128xi32, #tpu.memory_space<vmem>>
        %dma_wait3A_38 = arith.constant 0 : i32
        %dma_wait3A_39 = arith.constant 0 : i32
        %dma_wait3A_40 = tpu.memref_slice %arg9[%dma_wait3A_38, %dma_wait3A_39] : memref<80016x16xf32, #tpu.memory_space<vmem_shared>> -> memref<80016x16xf32, #tpu.memory_space<vmem_shared>>
        tpu.wait_indirect_dma semaphore(%run_scoped3A : memref<!tpu.dma_semaphore, #tpu.memory_space<semaphore_mem>>) src(%arg12 : memref<128x16xf32, #tpu.memory_space<vmem>>) dst(%dma_wait3A_40 : memref<80016x16xf32, #tpu.memory_space<vmem_shared>>)
        tpu.yield
      }) : () -> ()
    }
    %scan3A_16 = arith.constant 80 : i32
    %barrier3A_17 = arith.constant 0 : index
    tpu.barrier barrier_id(%barrier3A_17)
    "tpu.region"() ({
      %run_scoped3A = tpu.sem_alloc : memref<!tpu.dma_semaphore, #tpu.memory_space<semaphore_mem>>
      %dma_start3A = arith.constant 0 : i32
      %dma_start3A_18 = tpu.memref_slice %arg8[%arg0, %mul3A_2, %dma_start3A] : memref<2x80016x16xf32, #tpu.memory_space<hbm>> -> memref<1x5001x16xf32, #tpu.memory_space<hbm>>
      %dma_start3A_19 = tpu.memref_squeeze %dma_start3A_18 : memref<1x5001x16xf32, #tpu.memory_space<hbm>> -> memref<5001x16xf32, #tpu.memory_space<hbm>>
      %dma_start3A_20 = arith.constant 0 : i32
      %dma_start3A_21 = tpu.memref_slice %arg9[%mul3A_2, %dma_start3A_20] : memref<80016x16xf32, #tpu.memory_space<vmem_shared>> -> memref<5001x16xf32, #tpu.memory_space<vmem_shared>>
      tpu.enqueue_dma source(%dma_start3A_21 : memref<5001x16xf32, #tpu.memory_space<vmem_shared>>) target(%dma_start3A_19 : memref<5001x16xf32, #tpu.memory_space<hbm>>) target_semaphore(%run_scoped3A : memref<!tpu.dma_semaphore, #tpu.memory_space<semaphore_mem>>)
      %dma_wait3A = arith.constant 0 : i32
      %dma_wait3A_22 = tpu.memref_slice %arg8[%arg0, %mul3A_2, %dma_wait3A] : memref<2x80016x16xf32, #tpu.memory_space<hbm>> -> memref<1x5001x16xf32, #tpu.memory_space<hbm>>
      %dma_wait3A_23 = tpu.memref_squeeze %dma_wait3A_22 : memref<1x5001x16xf32, #tpu.memory_space<hbm>> -> memref<5001x16xf32, #tpu.memory_space<hbm>>
      %dma_wait3A_24 = arith.constant 0 : i32
      %dma_wait3A_25 = tpu.memref_slice %arg9[%mul3A_2, %dma_wait3A_24] : memref<80016x16xf32, #tpu.memory_space<vmem_shared>> -> memref<5001x16xf32, #tpu.memory_space<vmem_shared>>
      tpu.wait_dma2 semaphore(%run_scoped3A : memref<!tpu.dma_semaphore, #tpu.memory_space<semaphore_mem>>) src(%dma_wait3A_25 : memref<5001x16xf32, #tpu.memory_space<vmem_shared>>) dst(%dma_wait3A_23 : memref<5001x16xf32, #tpu.memory_space<hbm>>)
      tpu.yield
    }) : () -> ()
    return
  }
}

#map = affine_map<(d0, d1) -> (0, 0)>
#map1 = affine_map<(d0, d1) -> (0, 0, 0)>
module attributes {stable_mosaic.version = 14 : i64} {
  func.func @kern(%arg0: i32, %arg1: i32, %arg2: memref<80000x16xf32, #tpu.memory_space<hbm>>, %arg3: memref<32x80x128xi32, #tpu.memory_space<hbm>>, %arg4: memref<32x80x128xi32, #tpu.memory_space<hbm>>, %arg5: memref<128x16xf32, #tpu.memory_space<hbm>>, %arg6: memref<80016x16xf32, #tpu.memory_space<hbm>>, %arg7: memref<2x80016x16xf32, #tpu.memory_space<hbm>>, %arg8: memref<80016x16xf32, #tpu.memory_space<vmem_shared>>, %arg9: memref<80x128xi32, #tpu.memory_space<vmem>>, %arg10: memref<80x128xi32, #tpu.memory_space<vmem>>, %arg11: memref<128x16xf32, #tpu.memory_space<vmem>>, %arg12: memref<128x16xf32, #tpu.memory_space<vmem>>, %arg13: memref<!tpu.dma_semaphore, #tpu.memory_space<semaphore_mem>>) attributes {dimension_semantics = [#tpu.dimension_semantics<core_parallel>, #tpu.dimension_semantics<subcore_parallel>], iteration_bounds = array<i64: 2, 16>, scalar_prefetch = 0 : i64, scratch_operands = 6 : i64, tpu.core_type = #tpu.core_type<sc_vector_subcore>, window_params = [{transform_indices = #map}, {transform_indices = #map1}, {transform_indices = #map1}, {transform_indices = #map}, {transform_indices = #map}, {transform_indices = #map1}]} {
    %mul3A = arith.constant 16 : i32
    %mul3A_0 = arith.muli %arg0, %mul3A : i32
    %add3A = arith.addi %mul3A_0, %arg1 : i32
    %mul3A_1 = arith.constant 5001 : i32
    %mul3A_2 = arith.muli %arg1, %mul3A_1 : i32
    "tpu.region"() ({
      %run_scoped3A = tpu.sem_alloc : memref<!tpu.dma_semaphore, #tpu.memory_space<semaphore_mem>>
      %dma_start3A = arith.constant 0 : i32
      %dma_start3A_9 = tpu.memref_slice %arg8[%mul3A_2, %dma_start3A] : memref<80016x16xf32, #tpu.memory_space<vmem_shared>> -> memref<5001x16xf32, #tpu.memory_space<vmem_shared>>
      %dma_start3A_10 = arith.constant 0 : i32
      %dma_start3A_11 = tpu.memref_slice %arg6[%mul3A_2, %dma_start3A_10] : memref<80016x16xf32, #tpu.memory_space<hbm>> -> memref<5001x16xf32, #tpu.memory_space<hbm>>
      tpu.enqueue_dma source(%dma_start3A_11 : memref<5001x16xf32, #tpu.memory_space<hbm>>) target(%dma_start3A_9 : memref<5001x16xf32, #tpu.memory_space<vmem_shared>>) target_semaphore(%run_scoped3A : memref<!tpu.dma_semaphore, #tpu.memory_space<semaphore_mem>>)
      %dma_wait3A = arith.constant 0 : i32
      %dma_wait3A_12 = tpu.memref_slice %arg8[%mul3A_2, %dma_wait3A] : memref<80016x16xf32, #tpu.memory_space<vmem_shared>> -> memref<5001x16xf32, #tpu.memory_space<vmem_shared>>
      %dma_wait3A_13 = arith.constant 0 : i32
      %dma_wait3A_14 = tpu.memref_slice %arg6[%mul3A_2, %dma_wait3A_13] : memref<80016x16xf32, #tpu.memory_space<hbm>> -> memref<5001x16xf32, #tpu.memory_space<hbm>>
      tpu.wait_dma2 semaphore(%run_scoped3A : memref<!tpu.dma_semaphore, #tpu.memory_space<semaphore_mem>>) src(%dma_wait3A_14 : memref<5001x16xf32, #tpu.memory_space<hbm>>) dst(%dma_wait3A_12 : memref<5001x16xf32, #tpu.memory_space<vmem_shared>>)
      tpu.yield
    }) : () -> ()
    "tpu.region"() ({
      %run_scoped3A = tpu.sem_alloc : memref<!tpu.dma_semaphore, #tpu.memory_space<semaphore_mem>>
      %dma_start3A = arith.constant 0 : i32
      %dma_start3A_9 = arith.constant 0 : i32
      %dma_start3A_10 = tpu.memref_slice %arg3[%add3A, %dma_start3A, %dma_start3A_9] : memref<32x80x128xi32, #tpu.memory_space<hbm>> -> memref<1x80x128xi32, #tpu.memory_space<hbm>>
      %dma_start3A_11 = tpu.memref_squeeze %dma_start3A_10 : memref<1x80x128xi32, #tpu.memory_space<hbm>> -> memref<80x128xi32, #tpu.memory_space<hbm>>
      %dma_start3A_12 = arith.constant 0 : i32
      %dma_start3A_13 = arith.constant 0 : i32
      %dma_start3A_14 = tpu.memref_slice %arg3[%add3A, %dma_start3A_12, %dma_start3A_13] : memref<32x80x128xi32, #tpu.memory_space<hbm>> -> memref<1x80x128xi32, #tpu.memory_space<hbm>>
      %dma_start3A_15 = tpu.memref_squeeze %dma_start3A_14 : memref<1x80x128xi32, #tpu.memory_space<hbm>> -> memref<80x128xi32, #tpu.memory_space<hbm>>
      tpu.enqueue_dma source(%dma_start3A_15 : memref<80x128xi32, #tpu.memory_space<hbm>>) target(%arg9 : memref<80x128xi32, #tpu.memory_space<vmem>>) target_semaphore(%run_scoped3A : memref<!tpu.dma_semaphore, #tpu.memory_space<semaphore_mem>>)
      %dma_wait3A = arith.constant 0 : i32
      %dma_wait3A_16 = arith.constant 0 : i32
      %dma_wait3A_17 = tpu.memref_slice %arg3[%add3A, %dma_wait3A, %dma_wait3A_16] : memref<32x80x128xi32, #tpu.memory_space<hbm>> -> memref<1x80x128xi32, #tpu.memory_space<hbm>>
      %dma_wait3A_18 = tpu.memref_squeeze %dma_wait3A_17 : memref<1x80x128xi32, #tpu.memory_space<hbm>> -> memref<80x128xi32, #tpu.memory_space<hbm>>
      %dma_wait3A_19 = arith.constant 0 : i32
      %dma_wait3A_20 = arith.constant 0 : i32
      %dma_wait3A_21 = tpu.memref_slice %arg3[%add3A, %dma_wait3A_19, %dma_wait3A_20] : memref<32x80x128xi32, #tpu.memory_space<hbm>> -> memref<1x80x128xi32, #tpu.memory_space<hbm>>
      %dma_wait3A_22 = tpu.memref_squeeze %dma_wait3A_21 : memref<1x80x128xi32, #tpu.memory_space<hbm>> -> memref<80x128xi32, #tpu.memory_space<hbm>>
      tpu.wait_dma2 semaphore(%run_scoped3A : memref<!tpu.dma_semaphore, #tpu.memory_space<semaphore_mem>>) src(%dma_wait3A_22 : memref<80x128xi32, #tpu.memory_space<hbm>>) dst(%arg9 : memref<80x128xi32, #tpu.memory_space<vmem>>)
      tpu.yield
    }) : () -> ()
    "tpu.region"() ({
      %run_scoped3A = tpu.sem_alloc : memref<!tpu.dma_semaphore, #tpu.memory_space<semaphore_mem>>
      %dma_start3A = arith.constant 0 : i32
      %dma_start3A_9 = arith.constant 0 : i32
      %dma_start3A_10 = tpu.memref_slice %arg4[%add3A, %dma_start3A, %dma_start3A_9] : memref<32x80x128xi32, #tpu.memory_space<hbm>> -> memref<1x80x128xi32, #tpu.memory_space<hbm>>
      %dma_start3A_11 = tpu.memref_squeeze %dma_start3A_10 : memref<1x80x128xi32, #tpu.memory_space<hbm>> -> memref<80x128xi32, #tpu.memory_space<hbm>>
      %dma_start3A_12 = arith.constant 0 : i32
      %dma_start3A_13 = arith.constant 0 : i32
      %dma_start3A_14 = tpu.memref_slice %arg4[%add3A, %dma_start3A_12, %dma_start3A_13] : memref<32x80x128xi32, #tpu.memory_space<hbm>> -> memref<1x80x128xi32, #tpu.memory_space<hbm>>
      %dma_start3A_15 = tpu.memref_squeeze %dma_start3A_14 : memref<1x80x128xi32, #tpu.memory_space<hbm>> -> memref<80x128xi32, #tpu.memory_space<hbm>>
      tpu.enqueue_dma source(%dma_start3A_15 : memref<80x128xi32, #tpu.memory_space<hbm>>) target(%arg10 : memref<80x128xi32, #tpu.memory_space<vmem>>) target_semaphore(%run_scoped3A : memref<!tpu.dma_semaphore, #tpu.memory_space<semaphore_mem>>)
      %dma_wait3A = arith.constant 0 : i32
      %dma_wait3A_16 = arith.constant 0 : i32
      %dma_wait3A_17 = tpu.memref_slice %arg4[%add3A, %dma_wait3A, %dma_wait3A_16] : memref<32x80x128xi32, #tpu.memory_space<hbm>> -> memref<1x80x128xi32, #tpu.memory_space<hbm>>
      %dma_wait3A_18 = tpu.memref_squeeze %dma_wait3A_17 : memref<1x80x128xi32, #tpu.memory_space<hbm>> -> memref<80x128xi32, #tpu.memory_space<hbm>>
      %dma_wait3A_19 = arith.constant 0 : i32
      %dma_wait3A_20 = arith.constant 0 : i32
      %dma_wait3A_21 = tpu.memref_slice %arg4[%add3A, %dma_wait3A_19, %dma_wait3A_20] : memref<32x80x128xi32, #tpu.memory_space<hbm>> -> memref<1x80x128xi32, #tpu.memory_space<hbm>>
      %dma_wait3A_22 = tpu.memref_squeeze %dma_wait3A_21 : memref<1x80x128xi32, #tpu.memory_space<hbm>> -> memref<80x128xi32, #tpu.memory_space<hbm>>
      tpu.wait_dma2 semaphore(%run_scoped3A : memref<!tpu.dma_semaphore, #tpu.memory_space<semaphore_mem>>) src(%dma_wait3A_22 : memref<80x128xi32, #tpu.memory_space<hbm>>) dst(%arg10 : memref<80x128xi32, #tpu.memory_space<vmem>>)
      tpu.yield
    }) : () -> ()
    %barrier3A = arith.constant 0 : index
    tpu.barrier barrier_id(%barrier3A)
    %scan3A = arith.constant 0 : i32
    %scan3A_3 = arith.constant 0 : i32
    %scan3A_4 = arith.constant 80 : i32
    %scan3A_5 = arith.addi %scan3A_3, %scan3A_4 : i32
    %scan3A_6 = arith.constant 1 : i32
    scf.for %scan3A_9 = %scan3A_3 to %scan3A_5 step %scan3A_6  : i32 {
      %dma_start3A = arith.constant 0 : i32
      %dma_start3A_10 = tpu.memref_slice %arg9[%scan3A_9, %dma_start3A] : memref<80x128xi32, #tpu.memory_space<vmem>> -> memref<1x128xi32, #tpu.memory_space<vmem>>
      %dma_start3A_11 = tpu.memref_squeeze %dma_start3A_10 : memref<1x128xi32, #tpu.memory_space<vmem>> -> memref<128xi32, #tpu.memory_space<vmem>>
      %dma_start3A_12 = arith.constant 0 : i32
      %dma_start3A_13 = arith.constant 0 : i32
      %dma_start3A_14 = tpu.memref_slice %arg2[%dma_start3A_12, %dma_start3A_13] : memref<80000x16xf32, #tpu.memory_space<hbm>> -> memref<80000x16xf32, #tpu.memory_space<hbm>>
      tpu.enqueue_indirect_dma source(%dma_start3A_14 : memref<80000x16xf32, #tpu.memory_space<hbm>>) target(%arg11 : memref<128x16xf32, #tpu.memory_space<vmem>>) offsets(%dma_start3A_11 : memref<128xi32, #tpu.memory_space<vmem>>) semaphore(%arg13 : memref<!tpu.dma_semaphore, #tpu.memory_space<semaphore_mem>>)
      %dma_wait3A = arith.constant 0 : i32
      %dma_wait3A_15 = tpu.memref_slice %arg9[%scan3A_9, %dma_wait3A] : memref<80x128xi32, #tpu.memory_space<vmem>> -> memref<1x128xi32, #tpu.memory_space<vmem>>
      %dma_wait3A_16 = tpu.memref_squeeze %dma_wait3A_15 : memref<1x128xi32, #tpu.memory_space<vmem>> -> memref<128xi32, #tpu.memory_space<vmem>>
      %dma_wait3A_17 = arith.constant 0 : i32
      %dma_wait3A_18 = arith.constant 0 : i32
      %dma_wait3A_19 = tpu.memref_slice %arg2[%dma_wait3A_17, %dma_wait3A_18] : memref<80000x16xf32, #tpu.memory_space<hbm>> -> memref<80000x16xf32, #tpu.memory_space<hbm>>
      tpu.wait_indirect_dma semaphore(%arg13 : memref<!tpu.dma_semaphore, #tpu.memory_space<semaphore_mem>>) src(%dma_wait3A_19 : memref<80000x16xf32, #tpu.memory_space<hbm>>) dst(%arg11 : memref<128x16xf32, #tpu.memory_space<vmem>>)
      "tpu.region"() ({
        %run_scoped3A = tpu.sem_alloc : memref<!tpu.dma_semaphore, #tpu.memory_space<semaphore_mem>>
        %dma_start3A_20 = arith.constant 0 : i32
        %dma_start3A_21 = tpu.memref_slice %arg10[%scan3A_9, %dma_start3A_20] : memref<80x128xi32, #tpu.memory_space<vmem>> -> memref<1x128xi32, #tpu.memory_space<vmem>>
        %dma_start3A_22 = tpu.memref_squeeze %dma_start3A_21 : memref<1x128xi32, #tpu.memory_space<vmem>> -> memref<128xi32, #tpu.memory_space<vmem>>
        %dma_start3A_23 = arith.constant 0 : i32
        %dma_start3A_24 = arith.constant 0 : i32
        %dma_start3A_25 = tpu.memref_slice %arg8[%dma_start3A_23, %dma_start3A_24] : memref<80016x16xf32, #tpu.memory_space<vmem_shared>> -> memref<80016x16xf32, #tpu.memory_space<vmem_shared>>
        tpu.enqueue_indirect_dma source(%arg11 : memref<128x16xf32, #tpu.memory_space<vmem>>) target(%dma_start3A_25 : memref<80016x16xf32, #tpu.memory_space<vmem_shared>>) offsets(%dma_start3A_22 : memref<128xi32, #tpu.memory_space<vmem>>) semaphore(%run_scoped3A : memref<!tpu.dma_semaphore, #tpu.memory_space<semaphore_mem>>) {add = true}
        %dma_wait3A_26 = arith.constant 0 : i32
        %dma_wait3A_27 = tpu.memref_slice %arg10[%scan3A_9, %dma_wait3A_26] : memref<80x128xi32, #tpu.memory_space<vmem>> -> memref<1x128xi32, #tpu.memory_space<vmem>>
        %dma_wait3A_28 = tpu.memref_squeeze %dma_wait3A_27 : memref<1x128xi32, #tpu.memory_space<vmem>> -> memref<128xi32, #tpu.memory_space<vmem>>
        %dma_wait3A_29 = arith.constant 0 : i32
        %dma_wait3A_30 = arith.constant 0 : i32
        %dma_wait3A_31 = tpu.memref_slice %arg8[%dma_wait3A_29, %dma_wait3A_30] : memref<80016x16xf32, #tpu.memory_space<vmem_shared>> -> memref<80016x16xf32, #tpu.memory_space<vmem_shared>>
        tpu.wait_indirect_dma semaphore(%run_scoped3A : memref<!tpu.dma_semaphore, #tpu.memory_space<semaphore_mem>>) src(%arg11 : memref<128x16xf32, #tpu.memory_space<vmem>>) dst(%dma_wait3A_31 : memref<80016x16xf32, #tpu.memory_space<vmem_shared>>)
        tpu.yield
      }) : () -> ()
    }
    %scan3A_7 = arith.constant 80 : i32
    %barrier3A_8 = arith.constant 0 : index
    tpu.barrier barrier_id(%barrier3A_8)
    "tpu.region"() ({
      %run_scoped3A = tpu.sem_alloc : memref<!tpu.dma_semaphore, #tpu.memory_space<semaphore_mem>>
      %dma_start3A = arith.constant 0 : i32
      %dma_start3A_9 = tpu.memref_slice %arg7[%arg0, %mul3A_2, %dma_start3A] : memref<2x80016x16xf32, #tpu.memory_space<hbm>> -> memref<1x5001x16xf32, #tpu.memory_space<hbm>>
      %dma_start3A_10 = tpu.memref_squeeze %dma_start3A_9 : memref<1x5001x16xf32, #tpu.memory_space<hbm>> -> memref<5001x16xf32, #tpu.memory_space<hbm>>
      %dma_start3A_11 = arith.constant 0 : i32
      %dma_start3A_12 = tpu.memref_slice %arg8[%mul3A_2, %dma_start3A_11] : memref<80016x16xf32, #tpu.memory_space<vmem_shared>> -> memref<5001x16xf32, #tpu.memory_space<vmem_shared>>
      tpu.enqueue_dma source(%dma_start3A_12 : memref<5001x16xf32, #tpu.memory_space<vmem_shared>>) target(%dma_start3A_10 : memref<5001x16xf32, #tpu.memory_space<hbm>>) target_semaphore(%run_scoped3A : memref<!tpu.dma_semaphore, #tpu.memory_space<semaphore_mem>>)
      %dma_wait3A = arith.constant 0 : i32
      %dma_wait3A_13 = tpu.memref_slice %arg7[%arg0, %mul3A_2, %dma_wait3A] : memref<2x80016x16xf32, #tpu.memory_space<hbm>> -> memref<1x5001x16xf32, #tpu.memory_space<hbm>>
      %dma_wait3A_14 = tpu.memref_squeeze %dma_wait3A_13 : memref<1x5001x16xf32, #tpu.memory_space<hbm>> -> memref<5001x16xf32, #tpu.memory_space<hbm>>
      %dma_wait3A_15 = arith.constant 0 : i32
      %dma_wait3A_16 = tpu.memref_slice %arg8[%mul3A_2, %dma_wait3A_15] : memref<80016x16xf32, #tpu.memory_space<vmem_shared>> -> memref<5001x16xf32, #tpu.memory_space<vmem_shared>>
      tpu.wait_dma2 semaphore(%run_scoped3A : memref<!tpu.dma_semaphore, #tpu.memory_space<semaphore_mem>>) src(%dma_wait3A_16 : memref<5001x16xf32, #tpu.memory_space<vmem_shared>>) dst(%dma_wait3A_14 : memref<5001x16xf32, #tpu.memory_space<hbm>>)
      tpu.yield
    }) : () -> ()
    return
  }
}

module attributes {stable_mosaic.version = 14 : i64} {
  func.func @_prep_kernel(%arg0: i32, %arg1: memref<1000x128xf32, #tpu.memory_space<vmem>>, %arg2: memref<128x128xf32, #tpu.memory_space<vmem>>, %arg3: memref<128x16xf32, #tpu.memory_space<vmem>>, %arg4: memref<1x16xf32, #tpu.memory_space<vmem>>, %arg5: memref<1000x128xf32, #tpu.memory_space<vmem>>, %arg6: memref<1000x16xf32, #tpu.memory_space<vmem>>) attributes {dimension_semantics = [#tpu.dimension_semantics<arbitrary>], iteration_bounds = array<i64: 10>, scalar_prefetch = 0 : i64, scratch_operands = 0 : i64, tpu.core_type = #tpu.core_type<tc>, window_params = [{transform_indices = @transform_0, window_bounds = array<i64: 1000, 128>}, {pipeline_mode = #tpu.pipeline_mode<synchronous>, transform_indices = @transform_1, window_bounds = array<i64: 128, 128>}, {pipeline_mode = #tpu.pipeline_mode<synchronous>, transform_indices = @transform_2, window_bounds = array<i64: 128, 16>}, {pipeline_mode = #tpu.pipeline_mode<synchronous>, transform_indices = @transform_3, window_bounds = array<i64: 1, 16>}, {transform_indices = @transform_4, window_bounds = array<i64: 1000, 128>}, {transform_indices = @transform_5, window_bounds = array<i64: 1000, 16>}]} {
    %get3A = arith.constant 0 : index
    %get3A_0 = arith.constant 0 : index
    %get3A_1 = vector.load %arg1[%get3A, %get3A_0] : memref<1000x128xf32, #tpu.memory_space<vmem>>, vector<1000x128xf32>
    %get3A_2 = arith.constant 0 : index
    %get3A_3 = arith.constant 0 : index
    %get3A_4 = vector.load %arg2[%get3A_2, %get3A_3] : memref<128x128xf32, #tpu.memory_space<vmem>>, vector<128x128xf32>
    %dot_general3A = arith.constant dense<0.000000e+00> : vector<1000x128xf32>
    %dot_general3A_5 = tpu.matmul %get3A_1, %get3A_4, %dot_general3A {dimension_numbers = #tpu.dot_dimension_numbers<[1], [0], [0], [1], [0, 0, 1, 1], [], []>, transpose_lhs_hint = false} : vector<1000x128xf32>, vector<128x128xf32>, vector<1000x128xf32> -> vector<1000x128xf32>
    %swap3A = arith.constant 0 : index
    %swap3A_6 = arith.constant 0 : index
    %swap3A_7 = vector.load %arg5[%swap3A, %swap3A_6] : memref<1000x128xf32, #tpu.memory_space<vmem>>, vector<1000x128xf32>
    tpu.vector_store %arg5[%swap3A, %swap3A_6], %dot_general3A_5 {strides = array<i32>} : memref<1000x128xf32, #tpu.memory_space<vmem>>, vector<1000x128xf32>,
    %get3A_8 = arith.constant 0 : index
    %get3A_9 = arith.constant 0 : index
    %get3A_10 = vector.load %arg3[%get3A_8, %get3A_9] : memref<128x16xf32, #tpu.memory_space<vmem>>, vector<128x16xf32>
    %dot_general3A_11 = arith.constant dense<0.000000e+00> : vector<1000x16xf32>
    %dot_general3A_12 = tpu.matmul %get3A_1, %get3A_10, %dot_general3A_11 {dimension_numbers = #tpu.dot_dimension_numbers<[1], [0], [0], [1], [0, 0, 1, 1], [], []>, transpose_lhs_hint = false} : vector<1000x128xf32>, vector<128x16xf32>, vector<1000x16xf32> -> vector<1000x16xf32>
    %get3A_13 = arith.constant 0 : index
    %get3A_14 = arith.constant 0 : index
    %get3A_15 = vector.load %arg4[%get3A_13, %get3A_14] : memref<1x16xf32, #tpu.memory_space<vmem>>, vector<1x16xf32>
    %add3A = vector.broadcast %get3A_15 : vector<1x16xf32> to vector<1000x16xf32>
    %add3A_16 = arith.addf %dot_general3A_12, %add3A : vector<1000x16xf32>
    %swap3A_17 = arith.constant 0 : index
    %swap3A_18 = arith.constant 0 : index
    %swap3A_19 = vector.load %arg6[%swap3A_17, %swap3A_18] : memref<1000x16xf32, #tpu.memory_space<vmem>>, vector<1000x16xf32>
    tpu.vector_store %arg6[%swap3A_17, %swap3A_18], %add3A_16 {strides = array<i32>} : memref<1000x16xf32, #tpu.memory_space<vmem>>, vector<1000x16xf32>,
    return
  }
  func.func @transform_0(%arg0: i32) -> (i32, i32) {
    %c0_i32 = arith.constant 0 : i32
    %c0_i32_0 = arith.constant 0 : i32
    return %arg0, %c0_i32 : i32, i32
  }
  func.func @transform_1(%arg0: i32) -> (i32, i32) {
    %c0_i32 = arith.constant 0 : i32
    %c0_i32_0 = arith.constant 0 : i32
    %c0_i32_1 = arith.constant 0 : i32
    return %c0_i32, %c0_i32_0 : i32, i32
  }
  func.func @transform_2(%arg0: i32) -> (i32, i32) {
    %c0_i32 = arith.constant 0 : i32
    %c0_i32_0 = arith.constant 0 : i32
    %c0_i32_1 = arith.constant 0 : i32
    return %c0_i32, %c0_i32_0 : i32, i32
  }
  func.func @transform_3(%arg0: i32) -> (i32, i32) {
    %c0_i32 = arith.constant 0 : i32
    %c0_i32_0 = arith.constant 0 : i32
    %c0_i32_1 = arith.constant 0 : i32
    return %c0_i32, %c0_i32_0 : i32, i32
  }
  func.func @transform_4(%arg0: i32) -> (i32, i32) {
    %c0_i32 = arith.constant 0 : i32
    %c0_i32_0 = arith.constant 0 : i32
    return %arg0, %c0_i32 : i32, i32
  }
  func.func @transform_5(%arg0: i32) -> (i32, i32) {
    %c0_i32 = arith.constant 0 : i32
    %c0_i32_0 = arith.constant 0 : i32
    return %arg0, %c0_i32 : i32, i32
  }
}

module attributes {stable_mosaic.version = 14 : i64} {
  func.func @_mid_kernel(%arg0: i32, %arg1: memref<2x1000x128xf32, #tpu.memory_space<vmem>>, %arg2: memref<2x1000x128xf32, #tpu.memory_space<vmem>>, %arg3: memref<1000x16xf32, #tpu.memory_space<vmem>>, %arg4: memref<16x128xf32, #tpu.memory_space<vmem>>, %arg5: memref<16x16xf32, #tpu.memory_space<vmem>>, %arg6: memref<1x16xf32, #tpu.memory_space<vmem>>, %arg7: memref<1000x128xf32, #tpu.memory_space<vmem>>, %arg8: memref<1000x16xf32, #tpu.memory_space<vmem>>) attributes {dimension_semantics = [#tpu.dimension_semantics<arbitrary>], iteration_bounds = array<i64: 10>, scalar_prefetch = 0 : i64, scratch_operands = 0 : i64, tpu.core_type = #tpu.core_type<tc>, window_params = [{transform_indices = @transform_0, window_bounds = array<i64: 2, 1000, 128>}, {transform_indices = @transform_1, window_bounds = array<i64: 2, 1000, 128>}, {transform_indices = @transform_2, window_bounds = array<i64: 1000, 16>}, {pipeline_mode = #tpu.pipeline_mode<synchronous>, transform_indices = @transform_3, window_bounds = array<i64: 16, 128>}, {pipeline_mode = #tpu.pipeline_mode<synchronous>, transform_indices = @transform_4, window_bounds = array<i64: 16, 16>}, {pipeline_mode = #tpu.pipeline_mode<synchronous>, transform_indices = @transform_5, window_bounds = array<i64: 1, 16>}, {transform_indices = @transform_6, window_bounds = array<i64: 1000, 128>}, {transform_indices = @transform_7, window_bounds = array<i64: 1000, 16>}]} {
    %get3A = arith.constant 0 : index
    %get3A_0 = arith.constant 0 : index
    %get3A_1 = vector.load %arg3[%get3A, %get3A_0] : memref<1000x16xf32, #tpu.memory_space<vmem>>, vector<1000x16xf32>
    %get3A_2 = arith.constant 0 : index
    %get3A_3 = arith.constant 0 : index
    %get3A_4 = arith.constant 0 : index
    %get3A_5 = vector.load %arg1[%get3A_2, %get3A_3, %get3A_4] : memref<2x1000x128xf32, #tpu.memory_space<vmem>>, vector<1x1000x128xf32>
    %get3A_6 = vector.shape_cast %get3A_5 : vector<1x1000x128xf32> to vector<1000x128xf32>
    %get3A_7 = arith.constant 1 : index
    %get3A_8 = arith.constant 0 : index
    %get3A_9 = arith.constant 0 : index
    %get3A_10 = vector.load %arg1[%get3A_7, %get3A_8, %get3A_9] : memref<2x1000x128xf32, #tpu.memory_space<vmem>>, vector<1x1000x128xf32>
    %get3A_11 = vector.shape_cast %get3A_10 : vector<1x1000x128xf32> to vector<1000x128xf32>
    %add3A = arith.addf %get3A_6, %get3A_11 : vector<1000x128xf32>
    %get3A_12 = arith.constant 0 : index
    %get3A_13 = arith.constant 0 : index
    %get3A_14 = arith.constant 0 : index
    %get3A_15 = vector.load %arg2[%get3A_12, %get3A_13, %get3A_14] : memref<2x1000x128xf32, #tpu.memory_space<vmem>>, vector<1x1000x128xf32>
    %get3A_16 = vector.shape_cast %get3A_15 : vector<1x1000x128xf32> to vector<1000x128xf32>
    %get3A_17 = arith.constant 1 : index
    %get3A_18 = arith.constant 0 : index
    %get3A_19 = arith.constant 0 : index
    %get3A_20 = vector.load %arg2[%get3A_17, %get3A_18, %get3A_19] : memref<2x1000x128xf32, #tpu.memory_space<vmem>>, vector<1x1000x128xf32>
    %get3A_21 = vector.shape_cast %get3A_20 : vector<1x1000x128xf32> to vector<1000x128xf32>
    %add3A_22 = arith.addf %get3A_16, %get3A_21 : vector<1000x128xf32>
    %max3A = arith.constant 1.000000e+00 : f32
    %max3A_23 = vector.broadcast %max3A : f32 to vector<1000x128xf32>
    %max3A_24 = arith.maximumf %add3A_22, %max3A_23 : vector<1000x128xf32>
    %div3A = arith.constant 1.000000e+00 : f32
    %div3A_25 = vector.broadcast %div3A : f32 to vector<1000x128xf32>
    %div3A_26 = arith.divf %div3A_25, %max3A_24 : vector<1000x128xf32>
    %mul3A = arith.mulf %add3A, %div3A_26 : vector<1000x128xf32>
    %slice3A = vector.extract_strided_slice %mul3A {offsets = [0, 0], sizes = [1000, 16], strides = [1, 1]} : vector<1000x128xf32> to vector<1000x16xf32>
    %slice3A_27 = vector.extract_strided_slice %mul3A {offsets = [0, 16], sizes = [1000, 16], strides = [1, 1]} : vector<1000x128xf32> to vector<1000x16xf32>
    %add3A_28 = arith.addf %slice3A, %slice3A_27 : vector<1000x16xf32>
    %slice3A_29 = vector.extract_strided_slice %mul3A {offsets = [0, 32], sizes = [1000, 16], strides = [1, 1]} : vector<1000x128xf32> to vector<1000x16xf32>
    %add3A_30 = arith.addf %add3A_28, %slice3A_29 : vector<1000x16xf32>
    %slice3A_31 = vector.extract_strided_slice %mul3A {offsets = [0, 48], sizes = [1000, 16], strides = [1, 1]} : vector<1000x128xf32> to vector<1000x16xf32>
    %add3A_32 = arith.addf %add3A_30, %slice3A_31 : vector<1000x16xf32>
    %slice3A_33 = vector.extract_strided_slice %mul3A {offsets = [0, 64], sizes = [1000, 16], strides = [1, 1]} : vector<1000x128xf32> to vector<1000x16xf32>
    %add3A_34 = arith.addf %add3A_32, %slice3A_33 : vector<1000x16xf32>
    %slice3A_35 = vector.extract_strided_slice %mul3A {offsets = [0, 80], sizes = [1000, 16], strides = [1, 1]} : vector<1000x128xf32> to vector<1000x16xf32>
    %add3A_36 = arith.addf %add3A_34, %slice3A_35 : vector<1000x16xf32>
    %slice3A_37 = vector.extract_strided_slice %mul3A {offsets = [0, 96], sizes = [1000, 16], strides = [1, 1]} : vector<1000x128xf32> to vector<1000x16xf32>
    %add3A_38 = arith.addf %add3A_36, %slice3A_37 : vector<1000x16xf32>
    %slice3A_39 = vector.extract_strided_slice %mul3A {offsets = [0, 112], sizes = [1000, 16], strides = [1, 1]} : vector<1000x128xf32> to vector<1000x16xf32>
    %add3A_40 = arith.addf %add3A_38, %slice3A_39 : vector<1000x16xf32>
    %add3A_41 = arith.addf %get3A_1, %add3A_40 : vector<1000x16xf32>
    %max3A_42 = arith.constant 0.000000e+00 : f32
    %max3A_43 = vector.broadcast %max3A_42 : f32 to vector<1000x16xf32>
    %max3A_44 = arith.maximumf %add3A_41, %max3A_43 : vector<1000x16xf32>
    %get3A_45 = arith.constant 0 : index
    %get3A_46 = arith.constant 0 : index
    %get3A_47 = vector.load %arg4[%get3A_45, %get3A_46] : memref<16x128xf32, #tpu.memory_space<vmem>>, vector<16x128xf32>
    %dot_general3A = arith.constant dense<0.000000e+00> : vector<1000x128xf32>
    %dot_general3A_48 = tpu.matmul %max3A_44, %get3A_47, %dot_general3A {dimension_numbers = #tpu.dot_dimension_numbers<[1], [0], [0], [1], [0, 0, 1, 1], [], []>, transpose_lhs_hint = false} : vector<1000x16xf32>, vector<16x128xf32>, vector<1000x128xf32> -> vector<1000x128xf32>
    %swap3A = arith.constant 0 : index
    %swap3A_49 = arith.constant 0 : index
    %swap3A_50 = vector.load %arg7[%swap3A, %swap3A_49] : memref<1000x128xf32, #tpu.memory_space<vmem>>, vector<1000x128xf32>
    tpu.vector_store %arg7[%swap3A, %swap3A_49], %dot_general3A_48 {strides = array<i32>} : memref<1000x128xf32, #tpu.memory_space<vmem>>, vector<1000x128xf32>,
    %get3A_51 = arith.constant 0 : index
    %get3A_52 = arith.constant 0 : index
    %get3A_53 = vector.load %arg5[%get3A_51, %get3A_52] : memref<16x16xf32, #tpu.memory_space<vmem>>, vector<16x16xf32>
    %dot_general3A_54 = arith.constant dense<0.000000e+00> : vector<1000x16xf32>
    %dot_general3A_55 = tpu.matmul %max3A_44, %get3A_53, %dot_general3A_54 {dimension_numbers = #tpu.dot_dimension_numbers<[1], [0], [0], [1], [0, 0, 1, 1], [], []>, transpose_lhs_hint = false} : vector<1000x16xf32>, vector<16x16xf32>, vector<1000x16xf32> -> vector<1000x16xf32>
    %get3A_56 = arith.constant 0 : index
    %get3A_57 = arith.constant 0 : index
    %get3A_58 = vector.load %arg6[%get3A_56, %get3A_57] : memref<1x16xf32, #tpu.memory_space<vmem>>, vector<1x16xf32>
    %add3A_59 = vector.broadcast %get3A_58 : vector<1x16xf32> to vector<1000x16xf32>
    %add3A_60 = arith.addf %dot_general3A_55, %add3A_59 : vector<1000x16xf32>
    %swap3A_61 = arith.constant 0 : index
    %swap3A_62 = arith.constant 0 : index
    %swap3A_63 = vector.load %arg8[%swap3A_61, %swap3A_62] : memref<1000x16xf32, #tpu.memory_space<vmem>>, vector<1000x16xf32>
    tpu.vector_store %arg8[%swap3A_61, %swap3A_62], %add3A_60 {strides = array<i32>} : memref<1000x16xf32, #tpu.memory_space<vmem>>, vector<1000x16xf32>,
    return
  }
  func.func @transform_0(%arg0: i32) -> (i32, i32, i32) {
    %c0_i32 = arith.constant 0 : i32
    %c0_i32_0 = arith.constant 0 : i32
    %c0_i32_1 = arith.constant 0 : i32
    return %c0_i32, %arg0, %c0_i32_0 : i32, i32, i32
  }
  func.func @transform_1(%arg0: i32) -> (i32, i32, i32) {
    %c0_i32 = arith.constant 0 : i32
    %c0_i32_0 = arith.constant 0 : i32
    %c0_i32_1 = arith.constant 0 : i32
    return %c0_i32, %arg0, %c0_i32_0 : i32, i32, i32
  }
  func.func @transform_2(%arg0: i32) -> (i32, i32) {
    %c0_i32 = arith.constant 0 : i32
    %c0_i32_0 = arith.constant 0 : i32
    return %arg0, %c0_i32 : i32, i32
  }
  func.func @transform_3(%arg0: i32) -> (i32, i32) {
    %c0_i32 = arith.constant 0 : i32
    %c0_i32_0 = arith.constant 0 : i32
    %c0_i32_1 = arith.constant 0 : i32
    return %c0_i32, %c0_i32_0 : i32, i32
  }
  func.func @transform_4(%arg0: i32) -> (i32, i32) {
    %c0_i32 = arith.constant 0 : i32
    %c0_i32_0 = arith.constant 0 : i32
    %c0_i32_1 = arith.constant 0 : i32
    return %c0_i32, %c0_i32_0 : i32, i32
  }
  func.func @transform_5(%arg0: i32) -> (i32, i32) {
    %c0_i32 = arith.constant 0 : i32
    %c0_i32_0 = arith.constant 0 : i32
    %c0_i32_1 = arith.constant 0 : i32
    return %c0_i32, %c0_i32_0 : i32, i32
  }
  func.func @transform_6(%arg0: i32) -> (i32, i32) {
    %c0_i32 = arith.constant 0 : i32
    %c0_i32_0 = arith.constant 0 : i32
    return %arg0, %c0_i32 : i32, i32
  }
  func.func @transform_7(%arg0: i32) -> (i32, i32) {
    %c0_i32 = arith.constant 0 : i32
    %c0_i32_0 = arith.constant 0 : i32
    return %arg0, %c0_i32 : i32, i32
  }
}

module attributes {stable_mosaic.version = 14 : i64} {
  func.func @_final_kernel(%arg0: i32, %arg1: memref<2x1000x128xf32, #tpu.memory_space<vmem>>, %arg2: memref<2x1000x128xf32, #tpu.memory_space<vmem>>, %arg3: memref<1000x16xf32, #tpu.memory_space<vmem>>, %arg4: memref<1000x16xf32, #tpu.memory_space<vmem>>) attributes {dimension_semantics = [#tpu.dimension_semantics<arbitrary>], iteration_bounds = array<i64: 10>, scalar_prefetch = 0 : i64, scratch_operands = 0 : i64, tpu.core_type = #tpu.core_type<tc>, window_params = [{transform_indices = @transform_0, window_bounds = array<i64: 2, 1000, 128>}, {transform_indices = @transform_1, window_bounds = array<i64: 2, 1000, 128>}, {transform_indices = @transform_2, window_bounds = array<i64: 1000, 16>}, {transform_indices = @transform_3, window_bounds = array<i64: 1000, 16>}]} {
    %get3A = arith.constant 0 : index
    %get3A_0 = arith.constant 0 : index
    %get3A_1 = vector.load %arg3[%get3A, %get3A_0] : memref<1000x16xf32, #tpu.memory_space<vmem>>, vector<1000x16xf32>
    %get3A_2 = arith.constant 0 : index
    %get3A_3 = arith.constant 0 : index
    %get3A_4 = arith.constant 0 : index
    %get3A_5 = vector.load %arg1[%get3A_2, %get3A_3, %get3A_4] : memref<2x1000x128xf32, #tpu.memory_space<vmem>>, vector<1x1000x128xf32>
    %get3A_6 = vector.shape_cast %get3A_5 : vector<1x1000x128xf32> to vector<1000x128xf32>
    %get3A_7 = arith.constant 1 : index
    %get3A_8 = arith.constant 0 : index
    %get3A_9 = arith.constant 0 : index
    %get3A_10 = vector.load %arg1[%get3A_7, %get3A_8, %get3A_9] : memref<2x1000x128xf32, #tpu.memory_space<vmem>>, vector<1x1000x128xf32>
    %get3A_11 = vector.shape_cast %get3A_10 : vector<1x1000x128xf32> to vector<1000x128xf32>
    %add3A = arith.addf %get3A_6, %get3A_11 : vector<1000x128xf32>
    %get3A_12 = arith.constant 0 : index
    %get3A_13 = arith.constant 0 : index
    %get3A_14 = arith.constant 0 : index
    %get3A_15 = vector.load %arg2[%get3A_12, %get3A_13, %get3A_14] : memref<2x1000x128xf32, #tpu.memory_space<vmem>>, vector<1x1000x128xf32>
    %get3A_16 = vector.shape_cast %get3A_15 : vector<1x1000x128xf32> to vector<1000x128xf32>
    %get3A_17 = arith.constant 1 : index
    %get3A_18 = arith.constant 0 : index
    %get3A_19 = arith.constant 0 : index
    %get3A_20 = vector.load %arg2[%get3A_17, %get3A_18, %get3A_19] : memref<2x1000x128xf32, #tpu.memory_space<vmem>>, vector<1x1000x128xf32>
    %get3A_21 = vector.shape_cast %get3A_20 : vector<1x1000x128xf32> to vector<1000x128xf32>
    %add3A_22 = arith.addf %get3A_16, %get3A_21 : vector<1000x128xf32>
    %max3A = arith.constant 1.000000e+00 : f32
    %max3A_23 = vector.broadcast %max3A : f32 to vector<1000x128xf32>
    %max3A_24 = arith.maximumf %add3A_22, %max3A_23 : vector<1000x128xf32>
    %div3A = arith.constant 1.000000e+00 : f32
    %div3A_25 = vector.broadcast %div3A : f32 to vector<1000x128xf32>
    %div3A_26 = arith.divf %div3A_25, %max3A_24 : vector<1000x128xf32>
    %mul3A = arith.mulf %add3A, %div3A_26 : vector<1000x128xf32>
    %slice3A = vector.extract_strided_slice %mul3A {offsets = [0, 0], sizes = [1000, 16], strides = [1, 1]} : vector<1000x128xf32> to vector<1000x16xf32>
    %slice3A_27 = vector.extract_strided_slice %mul3A {offsets = [0, 16], sizes = [1000, 16], strides = [1, 1]} : vector<1000x128xf32> to vector<1000x16xf32>
    %add3A_28 = arith.addf %slice3A, %slice3A_27 : vector<1000x16xf32>
    %slice3A_29 = vector.extract_strided_slice %mul3A {offsets = [0, 32], sizes = [1000, 16], strides = [1, 1]} : vector<1000x128xf32> to vector<1000x16xf32>
    %add3A_30 = arith.addf %add3A_28, %slice3A_29 : vector<1000x16xf32>
    %slice3A_31 = vector.extract_strided_slice %mul3A {offsets = [0, 48], sizes = [1000, 16], strides = [1, 1]} : vector<1000x128xf32> to vector<1000x16xf32>
    %add3A_32 = arith.addf %add3A_30, %slice3A_31 : vector<1000x16xf32>
    %slice3A_33 = vector.extract_strided_slice %mul3A {offsets = [0, 64], sizes = [1000, 16], strides = [1, 1]} : vector<1000x128xf32> to vector<1000x16xf32>
    %add3A_34 = arith.addf %add3A_32, %slice3A_33 : vector<1000x16xf32>
    %slice3A_35 = vector.extract_strided_slice %mul3A {offsets = [0, 80], sizes = [1000, 16], strides = [1, 1]} : vector<1000x128xf32> to vector<1000x16xf32>
    %add3A_36 = arith.addf %add3A_34, %slice3A_35 : vector<1000x16xf32>
    %slice3A_37 = vector.extract_strided_slice %mul3A {offsets = [0, 96], sizes = [1000, 16], strides = [1, 1]} : vector<1000x128xf32> to vector<1000x16xf32>
    %add3A_38 = arith.addf %add3A_36, %slice3A_37 : vector<1000x16xf32>
    %slice3A_39 = vector.extract_strided_slice %mul3A {offsets = [0, 112], sizes = [1000, 16], strides = [1, 1]} : vector<1000x128xf32> to vector<1000x16xf32>
    %add3A_40 = arith.addf %add3A_38, %slice3A_39 : vector<1000x16xf32>
    %add3A_41 = arith.addf %get3A_1, %add3A_40 : vector<1000x16xf32>
    %swap3A = arith.constant 0 : index
    %swap3A_42 = arith.constant 0 : index
    %swap3A_43 = vector.load %arg4[%swap3A, %swap3A_42] : memref<1000x16xf32, #tpu.memory_space<vmem>>, vector<1000x16xf32>
    tpu.vector_store %arg4[%swap3A, %swap3A_42], %add3A_41 {strides = array<i32>} : memref<1000x16xf32, #tpu.memory_space<vmem>>, vector<1000x16xf32>,
    return
  }
  func.func @transform_0(%arg0: i32) -> (i32, i32, i32) {
    %c0_i32 = arith.constant 0 : i32
    %c0_i32_0 = arith.constant 0 : i32
    %c0_i32_1 = arith.constant 0 : i32
    return %c0_i32, %arg0, %c0_i32_0 : i32, i32, i32
  }
  func.func @transform_1(%arg0: i32) -> (i32, i32, i32) {
    %c0_i32 = arith.constant 0 : i32
    %c0_i32_0 = arith.constant 0 : i32
    %c0_i32_1 = arith.constant 0 : i32
    return %c0_i32, %arg0, %c0_i32_0 : i32, i32, i32
  }
  func.func @transform_2(%arg0: i32) -> (i32, i32) {
    %c0_i32 = arith.constant 0 : i32
    %c0_i32_0 = arith.constant 0 : i32
    return %arg0, %c0_i32 : i32, i32
  }
  func.func @transform_3(%arg0: i32) -> (i32, i32) {
    %c0_i32 = arith.constant 0 : i32
    %c0_i32_0 = arith.constant 0 : i32
    return %arg0, %c0_i32 : i32, i32
  }
}

</mosaic_0001>

<sc_bundles>
// kernel: kernel.10.cloned.1.call-start
scs
__scs_entry_jumppad:
0x0: {  	(pc) =	sbr.rel $0x88, $3  }
0x1: {  	(tag) =	ssettag $0x0;
	lr =	simm.s32 $0x1  }
0x2: {  	[smem:$0x3F98] =	sst lr;
	_ =	strace $0xD0000000  }
0x3: {  	_ = 	snop  }
0x4: {  	_ = 	snop  }
0x5: {  	_ = 	snop  }
0x6: {  	_ = 	snop  }
0x7: {  	_ = 	snop  }
__scs_overlays_trampoline_lowered:
0x8: {  	[smem:$0x3FA7] =	sst s0  }
0x9: {  	[smem:$0x3FA8] =	sst s1  }
0xa: {  	[smem:$0x3FA9] =	sst s2  }
0xb: {  	[smem:$0x3FAA] =	sst s3  }
0xc: {  	[smem:$0x3FAB] =	sst s4  }
0xd: {  	[smem:$0x3FAC] =	sst s5  }
0xe: {  	[smem:$0x3FAD] =	sst s6  }
0xf: {  	[smem:$0x3FAE] =	sst s7  }
0x10: {  	[smem:$0x3FAF] =	sst s8  }
0x11: {  	[smem:$0x3FB0] =	sst s9;
	s0 =	simm.s32 @!p0 $0x0  }
0x12: {  	s1 =	sld [smem:$0x3F96];
	s0 =	simm.s32 @p0 $0x1  }
0x13: {  	[smem:$0x3FB1] =	sst s0;
	s0 =	simm.s32 @!p1 $0x0  }
0x14: {  	s2 =	sld [smem:$0x3F95];
	s0 =	simm.s32 @p1 $0x1  }
0x15: {  	[smem:$0x3FB2] =	sst s0;
	s0 =	simm.s32 @!p2 $0x0  }
0x16: {  	s3 =	sld [smem:$0x3FDB];
	s0 =	simm.s32 @p2 $0x1  }
0x17: {  	s4 =	simm.s32 $0x1BF5;
	[smem:$0x3FB4] =	sst s0  }
0x18: {  	s0 =	sld [smem:$0x3F97];
	_ =	swait.ge [sflag:s4], $0x0  }
0x19: {  	s7 =	sld [smem:$0x3F98]  }
0x1a: {  	s8 =	sadd.s32 $0xFFFFE003, lr  }
0x1b: {  	s9 =	sadd.s32 $0xFFFFFEF7, lr;
	s5 =	simm.s32 $0xFFFFFFFF;
	p2 =	slt.u32 s8, $0xFFFFF086  }
0x1c: {  	p1 =	slt.u32 s9, $0xF7A;
	s5 =	simm.s32 @!p2 $0x0  }
0x1d: {  	s5 =	simm.s32 @p1 $0x1;
	p0 =	seq.s32 s7, s2  }
0x1e: {  	s7 =	smul.u32 @!p0 $0xF7A, s2;
	p2 =	seq.s32 @!p0 s5, $0x0  }
0x1f: {  	s9 =	smul.u32 $0xF7A, s1;
	s8 =	simm.s32 @!p0 $0x1BF5;
	p2 =	por !p2, p0  }
0x20: {  	[sflag:s8] =	ssyncset.s32 @!p0 $0xFFFFF086;
	s6 =	sadd.s32 @!p0 s3, s7;
	s7 =	simm.s32 @!p0 $0x108  }
0x21: {  	s3 =	sadd.s32 s3, s9;
	s6 =	sadd.s32 @!p0 $0x88, s6;
	s7 =	simm.s32 @p2 $0x1082  }
0x22: {  	[simem:s7], [sflag:s8] =	dma.local @!p0 [hbm:s6], $0xF7A  }
0x23: {  	s9 =	sor.u32 $0xD0000000, s2;
	s6 =	simm.s32 $0x108;
	_ =	swait.ge @!p0 [sflag:s8], $0x0  }
0x24: {  	s3 =	sadd.s32 $0x88, s3;
	s6 =	simm.s32 @!p1 $0x1082;
	[sflag:s4] =	ssyncset.s32 $0xFFFFF086  }
0x25: {  	[simem:s6], [sflag:s4] =	dma.local [hbm:s3], $0xF7A  }
0x26: {  	[smem:$0x3F98] =	sst s1;
	(tag) =	ssettag s2;
	_ =	strace s9  }
0x27: {  	s1 =	sld [smem:$0x3FA8]  }
0x28: {  	s2 =	sld [smem:$0x3FA9]  }
0x29: {  	s4 =	sld [smem:$0x3FAB]  }
0x2a: {  	p0 =	seq.s32 s5, $0x0;
	s5 =	sld [smem:$0x3FAC]  }
0x2b: {  	s6 =	sld [smem:$0x3FAD]  }
0x2c: {  	s7 =	sld [smem:$0x3FAE]  }
0x2d: {  	s3 =	simm.s32 $0x108;
	s8 =	sld [smem:$0x3FAF]  }
0x2e: {  	s3 =	simm.s32 @!p0 $0x1082;
	s9 =	sld [smem:$0x3FB0]  }
0x2f: {  	lr =	sadd.s32 s0, s3;
	s0 =	sld [smem:$0x3FA7]  }
0x30: {  	s3 =	sld [smem:$0x3FAA]  }
0x31: {  	[smem:$0x3FB3] =	sst s10  }
0x32: {  	s10 =	sld [smem:$0x3FB1];
	_ =	sdelay $0x3  }
0x33: {  	p0 =	seq.s32 s10, $0x1;
	s10 =	sld [smem:$0x3FB3];
	_ =	sdelay $0x3  }
0x34: {  	[smem:$0x3FB3] =	sst s10  }
0x35: {  	s10 =	sld [smem:$0x3FB2];
	_ =	sdelay $0x3  }
0x36: {  	p1 =	seq.s32 s10, $0x1;
	s10 =	sld [smem:$0x3FB3];
	_ =	sdelay $0x3  }
0x37: {  	[smem:$0x3FB3] =	sst s10  }
0x38: {  	s10 =	sld [smem:$0x3FB4]  }
0x39: {  	_ = 	snop;
	(pc) =	sbr.ind lr, $3  }
0x3a: {  	_ = 	snop  }
0x3b: {  	_ = 	snop  }
0x3c: {  	p2 =	seq.s32 s10, $0x1;
	s10 =	sld [smem:$0x3FB3]  }
0x3d: {  	_ =	shalt  }
0x3e: {  	_ =	shalt  }
0x3f: {  	_ =	shalt  }
0x40: {  	_ =	shalt  }
0x41: {  	_ =	shalt  }
0x42: {  	_ =	shalt  }
0x43: {  	_ =	shalt  }
0x44: {  	_ =	shalt  }
0x45: {  	_ =	shalt  }
0x46: {  	_ =	shalt  }
0x47: {  	_ =	shalt  }
0x48: {  	_ =	shalt  }
0x49: {  	_ =	shalt  }
0x4a: {  	_ =	shalt  }
0x4b: {  	_ =	shalt  }
0x4c: {  	_ =	shalt  }
0x4d: {  	_ =	shalt  }
0x4e: {  	_ =	shalt  }
0x4f: {  	_ =	shalt  }
0x50: {  	_ =	shalt  }
0x51: {  	_ =	shalt  }
0x52: {  	_ =	shalt  }
0x53: {  	_ =	shalt  }
0x54: {  	_ =	shalt  }
0x55: {  	_ =	shalt  }
0x56: {  	_ =	shalt  }
0x57: {  	_ =	shalt  }
0x58: {  	_ =	shalt  }
0x59: {  	_ =	shalt  }
0x5a: {  	_ =	shalt  }
0x5b: {  	_ =	shalt  }
0x5c: {  	_ =	shalt  }
0x5d: {  	_ =	shalt  }
0x5e: {  	_ =	shalt  }
0x5f: {  	_ =	shalt  }
0x60: {  	_ =	shalt  }
0x61: {  	_ =	shalt  }
0x62: {  	_ =	shalt  }
0x63: {  	_ =	shalt  }
0x64: {  	_ =	shalt  }
0x65: {  	_ =	shalt  }
0x66: {  	_ =	shalt  }
0x67: {  	_ =	shalt  }
0x68: {  	_ =	shalt  }
0x69: {  	_ =	shalt  }
0x6a: {  	_ =	shalt  }
0x6b: {  	_ =	shalt  }
0x6c: {  	_ =	shalt  }
0x6d: {  	_ =	shalt  }
0x6e: {  	_ =	shalt  }
0x6f: {  	_ =	shalt  }
0x70: {  	_ =	shalt  }
0x71: {  	_ =	shalt  }
0x72: {  	_ =	shalt  }
0x73: {  	_ =	shalt  }
0x74: {  	_ =	shalt  }
0x75: {  	_ =	shalt  }
0x76: {  	_ =	shalt  }
0x77: {  	_ =	shalt  }
0x78: {  	_ =	shalt  }
0x79: {  	_ =	shalt  }
0x7a: {  	_ =	shalt  }
0x7b: {  	_ =	shalt  }
0x7c: {  	_ =	shalt  }
0x7d: {  	_ =	shalt  }
0x7e: {  	_ =	shalt  }
0x7f: {  	_ =	shalt  }
0x80: {  	_ =	shalt  }
0x81: {  	_ =	shalt  }
0x82: {  	_ =	shalt  }
0x83: {  	_ =	shalt  }
0x84: {  	_ =	shalt  }
0x85: {  	_ =	shalt  }
0x86: {  	_ =	shalt  }
0x87: {  	_ =	shalt  }
.Lfunc_end0:
.L_simem_size_0:
called_computation.1_lowered:
.L_overlay_start_0:
0x88: {  	s2 =	sld [smem:$0x3FD9]  }
0x89: {  	s3 =	sld [smem:$0x3FFE];
	_ =	sdelay $0x1  }
0x8a: {  	s1 =	srdreg.scid  }
0x8b: {  	s0 =	sand.u32 $0x1, s1  }
0x8c: {  	s16 =	sshll.u32 s0, $0xA;
	s2 =	sadd.s32 s3, s2  }
0x8d: {  	s2 =	sadd.s32 s2, s16  }
0x8e: {  	[smem:$0x3FBF] =	sst s2  }
0x8f: {  	_ = 	snop  }
0x90: {  	(tm) =	ssettm $0x1  }
0x91: {  	s17 =	sld [smem:$0x3FFB];
	_ =	sdelay $0x3  }
0x92: {  	_ =	strace s17  }
0x93: {  	s2 =	sld [smem:$0x3FFC];
	_ =	sdelay $0x3  }
0x94: {  	_ =	strace s2  }
0x95: {  	s2 =	sld [smem:$0x3FFD];
	_ =	sdelay $0x3  }
0x96: {  	_ =	strace s2  }
0x97: {  	_ =	strace $0x8FFFFFFF  }
0x98: {  	s18 =	sld [smem:$0x3FDB];
	_ =	sdelay $0x1  }
0x99: {  	s19 =	simm.s32 $_scs_section_size  }
0x9a: {  	s4 =	simm.s32 $_size__tile_overlayer_lowered;
	s5 =	simm.s32 $_tile_overlayer_lowered  }
0x9b: {  	s22 =	simm.s32 $0x1BFF;
	s21 =	sshll.u32 s5, $0x1;
	s2 =	sadd.s32 s19, s18  }
0x9c: {  	s6 =	simm.s32 $0x0;
	s20 =	sshll.u32 s4, $0x1;
	s4 =	sadd.s32 s21, s2  }
0x9d: {  	[timem:s6], [sflag:s22] =	dma.local [hbm:s4], s20  }
0x9e: {  	_ =	swait.ge [sflag:s22], s20  }
0x9f: {  	s3 =	ssub.s32 $0x0, s20;
	[sflag:s22] =	ssyncset.done $0x0  }
0xa0: {  	[sflag:s22] =	ssyncadd.s32 s3;
	_ =	sdelay $0x1  }
0xa1: {  	s23 =	simm.s32 $0x1B8B  }
0xa2: {  	_ =	swait.ge [sflag:s23], $0x1  }
0xa3: {  	[sflag:s23] =	ssyncset.done $0x0  }
0xa4: {  	s25 =	simm.s32 $0x1B8E;
	s24 =	sld [smem:$0x3FFE];
	[sflag:s23] =	ssyncadd.s32 $0xFFFFFFFF  }
0xa5: {  	s26 =	simm.s32 $execute0_lowered;
	[smem:$0x3FD2] =	sst s25  }
0xa6: {  	s4 =	sshll.u32 s26, $0x1;
	_ =	strace $0x80000049;
	[dreg:$0x1] =	wrdreg $0xFFFFFFFF  }
0xa7: {  	s28 =	simm.s32 $_size_execute0_lowered;
	s2 =	sadd.s32 s2, s4;
	[dreg:$0x0] =	wrdreg $0x0  }
0xa8: {  	s4 =	sshll.u32 s28, $0x1;
	[dreg:$0x2] =	wrdreg s2  }
0xa9: {  	[dreg:$0x3] =	wrdreg s4  }
0xaa: {  	[dreg:$0x4] =	wrdreg $0xC0  }
0xab: {  	_ =	task [dreg:s6], $0x5FFFF  }
0xac: {  	[dreg:$0x1] =	wrdreg $0xFFFFFFFF  }
0xad: {  	[dreg:$0x0] =	wrdreg $0x60  }
0xae: {  	[dreg:$0x2] =	wrdreg s24  }
0xaf: {  	[dreg:$0x3] =	wrdreg $0x0  }
0xb0: {  	[dreg:$0x4] =	wrdreg $0x9  }
0xb1: {  	_ =	task.clear_ibuf [dreg:s6], $0x5FFFF;
	_ =	strace $0x90000049  }
0xb2: {  	s29 =	simm.s32 $0x9;
	_ =	strace $0x8000004B  }
0xb3: {  	_ =	swait.ge [sflag:s29], $0x1  }
0xb4: {  	[sflag:s29] =	ssyncadd.s32 $0xFFFFFFFF  }
0xb5: {  	_ =	strace $0x9000004B  }
0xb6: {  	_ =	sfence  }
0xb7: {  	s30 =	sld [smem:$0x0];
	_ =	sdelay $0x2  }
0xb8: {  	s31 =	sshll.u32 s1, $0xD;
	s1 =	sshrl.u32 s1, $0x2  }
0xb9: {  	s3 =	sand.u32 $0x4000, s31;
	s1 =	sadd.s32 s1, s30  }
0xba: {  	s0 =	sor.u32 s3, s0;
	s1 =	sshll.u32 s1, $0x11  }
0xbb: {  	s0 =	sor.u32 s1, s0  }
0xbc: {  	s0 =	sadd.s32 $0x8F2B, s0  }
0xbd: {  	[sflag:s0] =	ssyncadd.remote.s32 $0x1  }
0xbe: {  	_ =	sfence.sel $0xFFFF  }
0xbf: {  	[dreg:$0x0] =	wrdreg $0xFFFFFFFF;
	(pc) =	sbr.abs _section_cstart, $3  }
0xc0: {  	[dreg:$0x1] =	wrdreg $0xFFFFFFFF  }
0xc1: {  	_ =	task.clear_ibuf [dreg:s6], $0x2FFFF;
	_ =	strace $0x9FFFFFFF  }
0xc2: {  	(tm) =	ssettm $0x7FFFFFFF  }
0xc3: {  	_ =	shalt  }
tec
execute0_lowered:
.L_overlay_start_1:
0x0: {  	(tag) =	ssettag $0x1  }
0x1: {  	s6 =	rddreg [dreg:$0x0]  }
0x2: {  	s0 =	srdreg.scid;
	s2 =	rddreg [dreg:$0x1];
	s3 =	simm.s32 $0x0  }
0x3: {  	s13 =	simm.s32 $0x13890;
	s14 =	simm.s32 $0x16090;
	s15 =	simm.s32 $0x80  }
0x4: {  	s16 =	simm.s32 $0x18890;
	s17 =	simm.s32 $0x1;
	s18 =	simm.s32 $0x0  }
0x5: {  	s5 =	sand.u32 $0x1, s0;
	s0 =	stileid.u32;
	[smem:$0x7FF] =	sst s3  }
0x6: {  	s4 =	sadd.s32 $0x16600, s6;
	s1 =	sshll.u32 s5, $0x4;
	s8 =	smul.u32 $0x13890, s0  }
0x7: {  	s9 =	smul.u32 $0x138900, s5;
	s5 =	ssub.s32 $0x2, s5;
	s1 =	sor.u32 s0, s1  }
0x8: {  	s31 =	sshll.u32 s0, $0x6;
	s11 =	sshrl.u32 s5, $0x1;
	s7 =	smul.u32 $0x500, s1  }
0x9: {  	s1 =	rddreg [dreg:$0x2];
	_ =	strace $0x8000004A;
	s30 =	sshrl.u32 s8, $0x3  }
0xa: {  	s9 =	sadd.s32 s8, s9;
	s11 =	ssub.s32 s5, s11;
	s12 =	sadd.s32 s8, s2  }
0xb: {  	s9 =	sshrl.u32 s9, $0x3;
	s10 =	sadd.s32 s7, s6;
	s7 =	sadd.s32 s30, s6  }
0xc: {  	s9 =	sadd.s32 s9, s6;
	s6 =	sor.u32 $0x1C02, s31;
	s5 =	sadd.s32 $0x3D800, s7  }
0xd: {  	s7 =	sadd.s32 $0xC600, s10;
	s8 =	sadd.s32 $0x2600, s10;
	s9 =	sadd.s32 $0x64A00, s9  }
0xe: {  	s10 =	smax.u32 s11, $0x1;
	s11 =	sshrl.u32 s12, $0x3;
	s12 =	simm.s32 $0x2  }
.LBB2_1:
0xf: {  	[spmem:s11], [sflag:s6] =	dma.local [hbm:s5], $0x2712  }
0x10: {  	_ =	swait.ge [sflag:s12], $0x2712  }
0x11: {  	[sflag:s12] =	ssyncset.done $0x0  }
0x12: {  	[sflag:s12] =	ssyncadd.s32 $0xFFFFD8EE  }
0x13: {  	[tilespmem:s13], [sflag:$0x2] =	stream.linear.gather [hbm4b:s7+s3], $0x2800, $0x38;
	[tilespmem:$0x19090] =	vst v63  }
0x14: {  	_ =	swait.ge [sflag:s12], $0x2800  }
0x15: {  	[sflag:s12] =	ssyncset.done $0x0  }
0x16: {  	[sflag:s12] =	ssyncadd.s32 $0xFFFFD800  }
0x17: {  	[tilespmem:s14], [sflag:$0x2] =	stream.linear.gather [hbm4b:s8+s3], $0x2800, $0x38;
	[tilespmem:$0x19090] =	vst v63  }
0x18: {  	_ =	swait.ge [sflag:s12], $0x2800  }
0x19: {  	[sflag:s12] =	ssyncset.done $0x0  }
0x1a: {  	[sflag:s12] =	ssyncadd.s32 $0xFFFFD800  }
0x1b: {  	s19 =	simm.s32 $0x13890;
	[bflag:$0x0] =	sbarrier.arrive $0xFFFF  }
0x1c: {  	[tilespmem:s16], [sflag:$0x1] =	stream.indirect.gather [hbm4b:s4+s15], $0x10, s19, s15, $0xb8;
	[tilespmem:$0x19090] =	vst v63  }
0x1d: {  	_ =	swait.ge [sflag:s17], $0x800  }
0x1e: {  	[sflag:s17] =	ssyncset.done $0x0  }
0x1f: {  	s31 =	simm.s32 $0x16090;
	[sflag:s17] =	ssyncadd.s32 $0xFFFFF800  }
0x20: {  	[spmem:s2] =	stream.indirect.scatter.add.f32 [tilespmem:s16], [sflag:$0x2], $0x10, s31, s15, $0xb8;
	[tilespmem:$0x19090] =	vst v63  }
0x21: {  	_ =	swait.ge [sflag:s12], $0x800  }
0x22: {  	s20 =	simm.s32 $0x400;
	s19 =	simm.s32 $0x80;
	[sflag:s12] =	ssyncset.done $0x0  }
.LBB2_2:
0x23: {  	s21 =	sadd.s32 $0x13890, s19  }
0x24: {  	[sflag:s12] =	ssyncadd.s32 $0xFFFFF800;
	s22 =	smov.u32 s20;
	s23 =	sadd.s32 $0x200, s20  }
0x25: {  	[tilespmem:s16], [sflag:$0x1] =	stream.indirect.gather [hbm4b:s4+s15], $0x10, s21, s15, $0xb8;
	[tilespmem:$0x19090] =	vst v63  }
0x26: {  	p0 =	sne.s32 s20, $0x9E00;
	_ =	swait.ge [sflag:s17], $0x800  }
.Ltmp0:
0x27: {  	[sflag:s17] =	ssyncset.done $0x0;
	(pc) =	sbr.rel @p0 .LBB2_2-.Ltmp0, $4  }
0x28: {  	s19 =	sadd.s32 $0x16090, s19;
	[sflag:s17] =	ssyncadd.s32 $0xFFFFF800  }
0x29: {  	[spmem:s2] =	stream.indirect.scatter.add.f32 [tilespmem:s16], [sflag:$0x2], $0x10, s19, s15, $0xb8;
	[tilespmem:$0x19090] =	vst v63  }
0x2a: {  	_ =	swait.ge [sflag:s12], $0x800  }
0x2b: {  	s20 =	smov.u32 s23;
	s19 =	sshra.s32 s22, $0x2;
	[sflag:s12] =	ssyncset.done $0x0  }
0x2c: {  	s20 =	sadd.s32 $0x13890, s19;
	[sflag:s12] =	ssyncadd.s32 $0xFFFFF800  }
0x2d: {  	[tilespmem:s16], [sflag:$0x1] =	stream.indirect.gather [hbm4b:s4+s15], $0x10, s20, s15, $0xb8;
	[tilespmem:$0x19090] =	vst v63  }
0x2e: {  	_ =	swait.ge [sflag:s17], $0x800  }
0x2f: {  	[sflag:s17] =	ssyncset.done $0x0  }
0x30: {  	s31 =	sadd.s32 $0x16090, s19;
	[sflag:s17] =	ssyncadd.s32 $0xFFFFF800  }
0x31: {  	[spmem:s2] =	stream.indirect.scatter.add.f32 [tilespmem:s16], [sflag:$0x2], $0x10, s31, s15, $0xb8;
	[tilespmem:$0x19090] =	vst v63  }
0x32: {  	_ =	swait.ge [sflag:s12], $0x800  }
0x33: {  	s18 =	sadd.s32 $0x1, s18;
	[sflag:s12] =	ssyncset.done $0x0  }
0x34: {  	p0 =	sne.s32 s18, s10;
	[sflag:s12] =	ssyncadd.s32 $0xFFFFF800  }
.Ltmp1:
0x35: {  	[bflag:$0x0] =	sbarrier.arrive $0xFFFF;
	(pc) =	sbr.rel @p0 .LBB2_1-.Ltmp1, $4  }
0x36: {  	[hbm:s9], [sflag:s6] =	dma.local [spmem:s11], $0x2712  }
0x37: {  	_ =	swait.ge [sflag:s12], $0x2712  }
0x38: {  	[sflag:s12] =	ssyncset.done $0x0  }
0x39: {  	[sflag:s12] =	ssyncadd.s32 $0xFFFFD8EE  }
0x3a: {  	_ =	sfence.sel $0x180000  }
0x3b: {  	[bflag:$0x0] =	sbarrier.arrive $0xFFFF  }
0x3c: {  	p0 =	sne.s32 s0, $0x0;
	_ =	strace $0x9000004A  }
0x3d: {  	s0 =	sadd.s32 @!p0 $0x100000, s1;
	[bflag:$0x2] =	sbarrier.arrive $0xFFFF  }
0x3e: {  	[sflag:s0] =	ssyncadd.tile.s32 @!p0 $0x1;
	_ =	shalt  }
.Lfunc_end2:
_tile_overlayer_lowered:
.L_overlay_start_2:
0x3f: {  	(tag) =	ssettag $0x2  }
0x40: {  	s0 =	rddreg [dreg:$0x0];
	s2 =	stileid.u32  }
0x41: {  	s1 =	rddreg [dreg:$0x1];
	p0 =	sne.s32 s2, $0x0  }
0x42: {  	s3 =	rddreg [dreg:$0x2];
	[bflag:$0x3] =	sbarrier.arrive $0xFFFF;
	s2 =	simm.s32 @!p0 $0x1C02  }
0x43: {  	[timem:s3], [sflag:s2] =	dma.local @!p0 [hbm:s0], s1  }
0x44: {  	s0 =	simm.s32 @!p0 $0x2  }
0x45: {  	_ =	swait.ge @!p0 [sflag:s0], s1  }
0x46: {  	s1 =	ssub.s32 @!p0 $0x0, s1;
	[sflag:s0] =	ssyncset.done @!p0 $0x0  }
0x47: {  	[sflag:s0] =	ssyncadd.s32 @!p0 s1  }
0x48: {  	[bflag:$0x3] =	sbarrier.arrive $0xFFFF  }
0x49: {  	_ =	shalt  }

// kernel: kernel.7.cloned.1.call-start
scs
__scs_entry_jumppad:
0x0: {  	(pc) =	sbr.rel $0x88, $3  }
0x1: {  	(tag) =	ssettag $0x0;
	lr =	simm.s32 $0x1  }
0x2: {  	[smem:$0x3F98] =	sst lr;
	_ =	strace $0xD0000000  }
0x3: {  	_ = 	snop  }
0x4: {  	_ = 	snop  }
0x5: {  	_ = 	snop  }
0x6: {  	_ = 	snop  }
0x7: {  	_ = 	snop  }
__scs_overlays_trampoline_lowered:
0x8: {  	[smem:$0x3FA7] =	sst s0  }
0x9: {  	[smem:$0x3FA8] =	sst s1  }
0xa: {  	[smem:$0x3FA9] =	sst s2  }
0xb: {  	[smem:$0x3FAA] =	sst s3  }
0xc: {  	[smem:$0x3FAB] =	sst s4  }
0xd: {  	[smem:$0x3FAC] =	sst s5  }
0xe: {  	[smem:$0x3FAD] =	sst s6  }
0xf: {  	[smem:$0x3FAE] =	sst s7  }
0x10: {  	[smem:$0x3FAF] =	sst s8  }
0x11: {  	[smem:$0x3FB0] =	sst s9;
	s0 =	simm.s32 @!p0 $0x0  }
0x12: {  	s1 =	sld [smem:$0x3F96];
	s0 =	simm.s32 @p0 $0x1  }
0x13: {  	[smem:$0x3FB1] =	sst s0;
	s0 =	simm.s32 @!p1 $0x0  }
0x14: {  	s2 =	sld [smem:$0x3F95];
	s0 =	simm.s32 @p1 $0x1  }
0x15: {  	[smem:$0x3FB2] =	sst s0;
	s0 =	simm.s32 @!p2 $0x0  }
0x16: {  	s3 =	sld [smem:$0x3FDB];
	s0 =	simm.s32 @p2 $0x1  }
0x17: {  	s4 =	simm.s32 $0x1BF5;
	[smem:$0x3FB4] =	sst s0  }
0x18: {  	s0 =	sld [smem:$0x3F97];
	_ =	swait.ge [sflag:s4], $0x0  }
0x19: {  	s7 =	sld [smem:$0x3F98]  }
0x1a: {  	s8 =	sadd.s32 $0xFFFFE003, lr  }
0x1b: {  	s9 =	sadd.s32 $0xFFFFFEF7, lr;
	s5 =	simm.s32 $0xFFFFFFFF;
	p2 =	slt.u32 s8, $0xFFFFF086  }
0x1c: {  	p1 =	slt.u32 s9, $0xF7A;
	s5 =	simm.s32 @!p2 $0x0  }
0x1d: {  	s5 =	simm.s32 @p1 $0x1;
	p0 =	seq.s32 s7, s2  }
0x1e: {  	s7 =	smul.u32 @!p0 $0xF7A, s2;
	p2 =	seq.s32 @!p0 s5, $0x0  }
0x1f: {  	s9 =	smul.u32 $0xF7A, s1;
	s8 =	simm.s32 @!p0 $0x1BF5;
	p2 =	por !p2, p0  }
0x20: {  	[sflag:s8] =	ssyncset.s32 @!p0 $0xFFFFF086;
	s6 =	sadd.s32 @!p0 s3, s7;
	s7 =	simm.s32 @!p0 $0x108  }
0x21: {  	s3 =	sadd.s32 s3, s9;
	s6 =	sadd.s32 @!p0 $0x88, s6;
	s7 =	simm.s32 @p2 $0x1082  }
0x22: {  	[simem:s7], [sflag:s8] =	dma.local @!p0 [hbm:s6], $0xF7A  }
0x23: {  	s9 =	sor.u32 $0xD0000000, s2;
	s6 =	simm.s32 $0x108;
	_ =	swait.ge @!p0 [sflag:s8], $0x0  }
0x24: {  	s3 =	sadd.s32 $0x88, s3;
	s6 =	simm.s32 @!p1 $0x1082;
	[sflag:s4] =	ssyncset.s32 $0xFFFFF086  }
0x25: {  	[simem:s6], [sflag:s4] =	dma.local [hbm:s3], $0xF7A  }
0x26: {  	[smem:$0x3F98] =	sst s1;
	(tag) =	ssettag s2;
	_ =	strace s9  }
0x27: {  	s1 =	sld [smem:$0x3FA8]  }
0x28: {  	s2 =	sld [smem:$0x3FA9]  }
0x29: {  	s4 =	sld [smem:$0x3FAB]  }
0x2a: {  	p0 =	seq.s32 s5, $0x0;
	s5 =	sld [smem:$0x3FAC]  }
0x2b: {  	s6 =	sld [smem:$0x3FAD]  }
0x2c: {  	s7 =	sld [smem:$0x3FAE]  }
0x2d: {  	s3 =	simm.s32 $0x108;
	s8 =	sld [smem:$0x3FAF]  }
0x2e: {  	s3 =	simm.s32 @!p0 $0x1082;
	s9 =	sld [smem:$0x3FB0]  }
0x2f: {  	lr =	sadd.s32 s0, s3;
	s0 =	sld [smem:$0x3FA7]  }
0x30: {  	s3 =	sld [smem:$0x3FAA]  }
0x31: {  	[smem:$0x3FB3] =	sst s10  }
0x32: {  	s10 =	sld [smem:$0x3FB1];
	_ =	sdelay $0x3  }
0x33: {  	p0 =	seq.s32 s10, $0x1;
	s10 =	sld [smem:$0x3FB3];
	_ =	sdelay $0x3  }
0x34: {  	[smem:$0x3FB3] =	sst s10  }
0x35: {  	s10 =	sld [smem:$0x3FB2];
	_ =	sdelay $0x3  }
0x36: {  	p1 =	seq.s32 s10, $0x1;
	s10 =	sld [smem:$0x3FB3];
	_ =	sdelay $0x3  }
0x37: {  	[smem:$0x3FB3] =	sst s10  }
0x38: {  	s10 =	sld [smem:$0x3FB4]  }
0x39: {  	_ = 	snop;
	(pc) =	sbr.ind lr, $3  }
0x3a: {  	_ = 	snop  }
0x3b: {  	_ = 	snop  }
0x3c: {  	p2 =	seq.s32 s10, $0x1;
	s10 =	sld [smem:$0x3FB3]  }
0x3d: {  	_ =	shalt  }
0x3e: {  	_ =	shalt  }
0x3f: {  	_ =	shalt  }
0x40: {  	_ =	shalt  }
0x41: {  	_ =	shalt  }
0x42: {  	_ =	shalt  }
0x43: {  	_ =	shalt  }
0x44: {  	_ =	shalt  }
0x45: {  	_ =	shalt  }
0x46: {  	_ =	shalt  }
0x47: {  	_ =	shalt  }
0x48: {  	_ =	shalt  }
0x49: {  	_ =	shalt  }
0x4a: {  	_ =	shalt  }
0x4b: {  	_ =	shalt  }
0x4c: {  	_ =	shalt  }
0x4d: {  	_ =	shalt  }
0x4e: {  	_ =	shalt  }
0x4f: {  	_ =	shalt  }
0x50: {  	_ =	shalt  }
0x51: {  	_ =	shalt  }
0x52: {  	_ =	shalt  }
0x53: {  	_ =	shalt  }
0x54: {  	_ =	shalt  }
0x55: {  	_ =	shalt  }
0x56: {  	_ =	shalt  }
0x57: {  	_ =	shalt  }
0x58: {  	_ =	shalt  }
0x59: {  	_ =	shalt  }
0x5a: {  	_ =	shalt  }
0x5b: {  	_ =	shalt  }
0x5c: {  	_ =	shalt  }
0x5d: {  	_ =	shalt  }
0x5e: {  	_ =	shalt  }
0x5f: {  	_ =	shalt  }
0x60: {  	_ =	shalt  }
0x61: {  	_ =	shalt  }
0x62: {  	_ =	shalt  }
0x63: {  	_ =	shalt  }
0x64: {  	_ =	shalt  }
0x65: {  	_ =	shalt  }
0x66: {  	_ =	shalt  }
0x67: {  	_ =	shalt  }
0x68: {  	_ =	shalt  }
0x69: {  	_ =	shalt  }
0x6a: {  	_ =	shalt  }
0x6b: {  	_ =	shalt  }
0x6c: {  	_ =	shalt  }
0x6d: {  	_ =	shalt  }
0x6e: {  	_ =	shalt  }
0x6f: {  	_ =	shalt  }
0x70: {  	_ =	shalt  }
0x71: {  	_ =	shalt  }
0x72: {  	_ =	shalt  }
0x73: {  	_ =	shalt  }
0x74: {  	_ =	shalt  }
0x75: {  	_ =	shalt  }
0x76: {  	_ =	shalt  }
0x77: {  	_ =	shalt  }
0x78: {  	_ =	shalt  }
0x79: {  	_ =	shalt  }
0x7a: {  	_ =	shalt  }
0x7b: {  	_ =	shalt  }
0x7c: {  	_ =	shalt  }
0x7d: {  	_ =	shalt  }
0x7e: {  	_ =	shalt  }
0x7f: {  	_ =	shalt  }
0x80: {  	_ =	shalt  }
0x81: {  	_ =	shalt  }
0x82: {  	_ =	shalt  }
0x83: {  	_ =	shalt  }
0x84: {  	_ =	shalt  }
0x85: {  	_ =	shalt  }
0x86: {  	_ =	shalt  }
0x87: {  	_ =	shalt  }
.Lfunc_end0:
.L_simem_size_0:
called_computation_lowered:
.L_overlay_start_0:
0x88: {  	s2 =	sld [smem:$0x3FD9]  }
0x89: {  	s3 =	sld [smem:$0x3FFE];
	_ =	sdelay $0x1  }
0x8a: {  	s1 =	srdreg.scid  }
0x8b: {  	s0 =	sand.u32 $0x1, s1  }
0x8c: {  	s17 =	sshll.u32 s0, $0xA;
	s2 =	sadd.s32 s3, s2  }
0x8d: {  	s2 =	sadd.s32 s2, s17  }
0x8e: {  	[smem:$0x3FBF] =	sst s2  }
0x8f: {  	_ = 	snop  }
0x90: {  	s2 =	sld [smem:$0x3FD0];
	(tm) =	ssettm $0x1  }
0x91: {  	s18 =	sld [smem:$0x3FFB];
	_ =	sdelay $0x3  }
0x92: {  	_ =	strace s18  }
0x93: {  	s3 =	sld [smem:$0x3FFC];
	_ =	sdelay $0x3  }
0x94: {  	_ =	strace s3  }
0x95: {  	s3 =	sld [smem:$0x3FFD];
	_ =	sdelay $0x3  }
0x96: {  	_ =	strace s3  }
0x97: {  	_ =	strace $0x8FFFFFFF  }
0x98: {  	s19 =	sld [smem:$0x3FDB];
	_ =	sdelay $0x1  }
0x99: {  	s4 =	simm.s32 $_scs_section_size  }
0x9a: {  	s5 =	simm.s32 $_size__tile_overlayer_lowered;
	s6 =	simm.s32 $_tile_overlayer_lowered  }
0x9b: {  	s22 =	simm.s32 $0x1BFF;
	s21 =	sshll.u32 s6, $0x1;
	s3 =	sadd.s32 s4, s19  }
0x9c: {  	s7 =	simm.s32 $0x0;
	s20 =	sshll.u32 s5, $0x1;
	s5 =	sadd.s32 s21, s3  }
0x9d: {  	[timem:s7], [sflag:s22] =	dma.local [hbm:s5], s20  }
0x9e: {  	_ =	swait.ge [sflag:s22], s20  }
0x9f: {  	s4 =	ssub.s32 $0x0, s20;
	[sflag:s22] =	ssyncset.done $0x0  }
0xa0: {  	[sflag:s22] =	ssyncadd.s32 s4;
	_ =	sdelay $0x1  }
0xa1: {  	s23 =	simm.s32 $0x1B8B  }
0xa2: {  	_ =	swait.ge [sflag:s23], $0x1  }
0xa3: {  	[sflag:s23] =	ssyncset.done $0x0  }
0xa4: {  	s25 =	simm.s32 $0x1B8E;
	s24 =	sld [smem:$0x3FFE];
	[sflag:s23] =	ssyncadd.s32 $0xFFFFFFFF  }
0xa5: {  	s26 =	simm.s32 $execute0_lowered;
	[smem:$0x3FD2] =	sst s25  }
0xa6: {  	s5 =	sshll.u32 s26, $0x1;
	_ =	strace $0x80000046;
	[dreg:$0x1] =	wrdreg $0xFFFFFFFF  }
0xa7: {  	s28 =	simm.s32 $_size_execute0_lowered;
	s3 =	sadd.s32 s3, s5;
	[dreg:$0x0] =	wrdreg $0x0  }
0xa8: {  	s5 =	sshll.u32 s28, $0x1;
	[dreg:$0x2] =	wrdreg s3  }
0xa9: {  	[dreg:$0x3] =	wrdreg s5  }
0xaa: {  	[dreg:$0x4] =	wrdreg $0xC0  }
0xab: {  	_ =	task [dreg:s7], $0x5FFFF  }
0xac: {  	[dreg:$0x1] =	wrdreg $0xFFFFFFFF  }
0xad: {  	[dreg:$0x0] =	wrdreg $0x60  }
0xae: {  	[dreg:$0x2] =	wrdreg s24  }
0xaf: {  	[dreg:$0x3] =	wrdreg s2  }
0xb0: {  	[dreg:$0x4] =	wrdreg $0x0  }
0xb1: {  	[dreg:$0x5] =	wrdreg $0x9  }
0xb2: {  	_ =	task.clear_ibuf [dreg:s7], $0x6FFFF;
	_ =	strace $0x90000046  }
0xb3: {  	s29 =	simm.s32 $0x9;
	_ =	strace $0x80000048  }
0xb4: {  	_ =	swait.ge [sflag:s29], $0x1  }
0xb5: {  	[sflag:s29] =	ssyncadd.s32 $0xFFFFFFFF  }
0xb6: {  	_ =	strace $0x90000048  }
0xb7: {  	_ =	sfence  }
0xb8: {  	s30 =	sld [smem:$0x0];
	_ =	sdelay $0x2  }
0xb9: {  	s31 =	sshll.u32 s1, $0xD;
	s1 =	sshrl.u32 s1, $0x2  }
0xba: {  	s3 =	sand.u32 $0x4000, s31;
	s1 =	sadd.s32 s1, s30  }
0xbb: {  	s0 =	sor.u32 s3, s0;
	s1 =	sshll.u32 s1, $0x11  }
0xbc: {  	s0 =	sor.u32 s1, s0  }
0xbd: {  	s0 =	sadd.s32 $0x8F2B, s0  }
0xbe: {  	[sflag:s0] =	ssyncadd.remote.s32 $0x1  }
0xbf: {  	_ =	sfence.sel $0xFFFF  }
0xc0: {  	[dreg:$0x0] =	wrdreg $0xFFFFFFFF;
	(pc) =	sbr.abs _section_cstart, $3  }
0xc1: {  	[dreg:$0x1] =	wrdreg $0xFFFFFFFF  }
0xc2: {  	_ =	task.clear_ibuf [dreg:s7], $0x2FFFF;
	_ =	strace $0x9FFFFFFF  }
0xc3: {  	(tm) =	ssettm $0x7FFFFFFF  }
tec
execute0_lowered:
.L_overlay_start_1:
0x0: {  	(tag) =	ssettag $0x1  }
0x1: {  	s7 =	rddreg [dreg:$0x0]  }
0x2: {  	s2 =	rddreg [dreg:$0x1]  }
0x3: {  	s0 =	srdreg.scid;
	s3 =	rddreg [dreg:$0x2]  }
0x4: {  	s4 =	simm.s32 $0x0;
	s15 =	simm.s32 $0x13890;
	s16 =	simm.s32 $0x16090  }
0x5: {  	s17 =	simm.s32 $0x19090;
	s18 =	simm.s32 $0x80;
	s19 =	simm.s32 $0x18890  }
0x6: {  	s20 =	simm.s32 $0x1;
	s6 =	sand.u32 $0x1, s0;
	s0 =	stileid.u32  }
0x7: {  	s21 =	simm.s32 $0x0;
	[smem:$0x7FF] =	sst s4;
	s9 =	smul.u32 $0x13890, s0  }
0x8: {  	s5 =	sadd.s32 $0x16600, s7;
	s1 =	sshll.u32 s6, $0x4;
	s10 =	smul.u32 $0x138900, s6  }
0x9: {  	s6 =	ssub.s32 $0x2, s6;
	s31 =	sshll.u32 s0, $0x6;
	s1 =	sor.u32 s0, s1  }
0xa: {  	s12 =	sshrl.u32 s6, $0x1;
	s8 =	smul.u32 $0x500, s1;
	s1 =	rddreg [dreg:$0x3]  }
0xb: {  	_ =	strace $0x80000047;
	s29 =	sadd.s32 s9, s10;
	s30 =	sshrl.u32 s9, $0x3  }
0xc: {  	s12 =	ssub.s32 s6, s12;
	s14 =	sadd.s32 s9, s3;
	s10 =	sadd.s32 s30, s7  }
0xd: {  	s12 =	smax.u32 s12, $0x1;
	s11 =	sadd.s32 s8, s7;
	s8 =	sshrl.u32 s29, $0x3  }
0xe: {  	s6 =	sadd.s32 $0x3D800, s10;
	s13 =	sadd.s32 s8, s7;
	s7 =	sor.u32 $0x1C02, s31  }
0xf: {  	s8 =	sadd.s32 $0xC600, s11;
	s9 =	sadd.s32 $0x2600, s11;
	s10 =	sadd.s32 $0x64A00, s13  }
0x10: {  	s11 =	sadd.s32 $0xB2E00, s13;
	s13 =	sshrl.u32 s14, $0x3;
	s14 =	simm.s32 $0x2  }
.LBB2_1:
0x11: {  	[spmem:s13], [sflag:s7] =	dma.local [hbm:s6], $0x2712  }
0x12: {  	_ =	swait.ge [sflag:s14], $0x2712  }
0x13: {  	[sflag:s14] =	ssyncset.done $0x0  }
0x14: {  	[sflag:s14] =	ssyncadd.s32 $0xFFFFD8EE  }
0x15: {  	[tilespmem:s15], [sflag:$0x2] =	stream.linear.gather [hbm4b:s8+s4], $0x2800, $0x38;
	[tilespmem:$0x19890] =	vst v63  }
0x16: {  	_ =	swait.ge [sflag:s14], $0x2800  }
0x17: {  	[sflag:s14] =	ssyncset.done $0x0  }
0x18: {  	[sflag:s14] =	ssyncadd.s32 $0xFFFFD800  }
0x19: {  	[tilespmem:s16], [sflag:$0x2] =	stream.linear.gather [hbm4b:s9+s4], $0x2800, $0x38;
	[tilespmem:$0x19890] =	vst v63  }
0x1a: {  	_ =	swait.ge [sflag:s14], $0x2800  }
0x1b: {  	[sflag:s14] =	ssyncset.done $0x0  }
0x1c: {  	[sflag:s14] =	ssyncadd.s32 $0xFFFFD800  }
0x1d: {  	[tilespmem:s17], [sflag:$0x2] =	stream.linear.gather [hbm4b:s2+s4], $0x800, $0x38;
	[tilespmem:$0x19890] =	vst v63  }
0x1e: {  	_ =	swait.ge [sflag:s14], $0x800  }
0x1f: {  	[sflag:s14] =	ssyncset.done $0x0  }
0x20: {  	[sflag:s14] =	ssyncadd.s32 $0xFFFFF800  }
0x21: {  	s22 =	simm.s32 $0x16090;
	[bflag:$0x0] =	sbarrier.arrive $0xFFFF  }
0x22: {  	[spmem:s3] =	stream.indirect.scatter.add.f32 [tilespmem:s17], [sflag:$0x2], $0x10, s22, s18, $0xb8;
	[tilespmem:$0x19890] =	vst v63  }
0x23: {  	s22 =	simm.s32 $0x200;
	_ =	swait.ge [sflag:s14], $0x800  }
.LBB2_2:
0x24: {  	s23 =	sshra.s32 s22, $0x2;
	[sflag:s14] =	ssyncset.done $0x0;
	p0 =	sne.s32 s22, $0x9E00  }
.Ltmp0:
0x25: {  	s23 =	sadd.s32 $0x16090, s23;
	[sflag:s14] =	ssyncadd.s32 $0xFFFFF800;
	(pc) =	sbr.rel @p0 .LBB2_2-.Ltmp0, $3  }
0x26: {  	[spmem:s3] =	stream.indirect.scatter.add.f32 [tilespmem:s17], [sflag:$0x2], $0x10, s23, s18, $0xb8;
	[tilespmem:$0x19890] =	vst v63  }
0x27: {  	s22 =	sadd.s32 $0x200, s22;
	_ =	sdelay $0x1  }
0x28: {  	_ =	swait.ge [sflag:s14], $0x800  }
0x29: {  	[sflag:s14] =	ssyncset.done $0x0  }
0x2a: {  	[sflag:s14] =	ssyncadd.s32 $0xFFFFF800  }
0x2b: {  	[bflag:$0x0] =	sbarrier.arrive $0xFFFF  }
0x2c: {  	[hbm:s10], [sflag:s7] =	dma.local [spmem:s13], $0x2712  }
0x2d: {  	_ =	swait.ge [sflag:s14], $0x2712  }
0x2e: {  	[sflag:s14] =	ssyncset.done $0x0  }
0x2f: {  	[sflag:s14] =	ssyncadd.s32 $0xFFFFD8EE  }
0x30: {  	[bflag:$0x0] =	sbarrier.arrive $0xFFFF  }
0x31: {  	[spmem:s13], [sflag:s7] =	dma.local [hbm:s6], $0x2712  }
0x32: {  	_ =	swait.ge [sflag:s14], $0x2712  }
0x33: {  	[sflag:s14] =	ssyncset.done $0x0  }
0x34: {  	[sflag:s14] =	ssyncadd.s32 $0xFFFFD8EE  }
0x35: {  	s22 =	simm.s32 $0x13890;
	[bflag:$0x0] =	sbarrier.arrive $0xFFFF  }
0x36: {  	[tilespmem:s19], [sflag:$0x1] =	stream.indirect.gather [hbm4b:s5+s18], $0x10, s22, s18, $0xb8;
	[tilespmem:$0x19890] =	vst v63  }
0x37: {  	_ =	swait.ge [sflag:s20], $0x800  }
0x38: {  	[sflag:s20] =	ssyncset.done $0x0  }
0x39: {  	s31 =	simm.s32 $0x16090;
	[sflag:s20] =	ssyncadd.s32 $0xFFFFF800  }
0x3a: {  	[spmem:s3] =	stream.indirect.scatter.add.f32 [tilespmem:s19], [sflag:$0x2], $0x10, s31, s18, $0xb8;
	[tilespmem:$0x19890] =	vst v63  }
0x3b: {  	_ =	swait.ge [sflag:s14], $0x800  }
0x3c: {  	s23 =	simm.s32 $0x400;
	s22 =	simm.s32 $0x80;
	[sflag:s14] =	ssyncset.done $0x0  }
.LBB2_4:
0x3d: {  	s24 =	sadd.s32 $0x13890, s22  }
0x3e: {  	[sflag:s14] =	ssyncadd.s32 $0xFFFFF800;
	s25 =	smov.u32 s23;
	s26 =	sadd.s32 $0x200, s23  }
0x3f: {  	[tilespmem:s19], [sflag:$0x1] =	stream.indirect.gather [hbm4b:s5+s18], $0x10, s24, s18, $0xb8;
	[tilespmem:$0x19890] =	vst v63  }
0x40: {  	p0 =	sne.s32 s23, $0x9E00;
	_ =	swait.ge [sflag:s20], $0x800  }
.Ltmp1:
0x41: {  	[sflag:s20] =	ssyncset.done $0x0;
	(pc) =	sbr.rel @p0 .LBB2_4-.Ltmp1, $4  }
0x42: {  	s22 =	sadd.s32 $0x16090, s22;
	[sflag:s20] =	ssyncadd.s32 $0xFFFFF800  }
0x43: {  	[spmem:s3] =	stream.indirect.scatter.add.f32 [tilespmem:s19], [sflag:$0x2], $0x10, s22, s18, $0xb8;
	[tilespmem:$0x19890] =	vst v63  }
0x44: {  	_ =	swait.ge [sflag:s14], $0x800  }
0x45: {  	s23 =	smov.u32 s26;
	s22 =	sshra.s32 s25, $0x2;
	[sflag:s14] =	ssyncset.done $0x0  }
0x46: {  	s23 =	sadd.s32 $0x13890, s22;
	[sflag:s14] =	ssyncadd.s32 $0xFFFFF800  }
0x47: {  	[tilespmem:s19], [sflag:$0x1] =	stream.indirect.gather [hbm4b:s5+s18], $0x10, s23, s18, $0xb8;
	[tilespmem:$0x19890] =	vst v63  }
0x48: {  	_ =	swait.ge [sflag:s20], $0x800  }
0x49: {  	[sflag:s20] =	ssyncset.done $0x0  }
0x4a: {  	s31 =	sadd.s32 $0x16090, s22;
	[sflag:s20] =	ssyncadd.s32 $0xFFFFF800  }
0x4b: {  	[spmem:s3] =	stream.indirect.scatter.add.f32 [tilespmem:s19], [sflag:$0x2], $0x10, s31, s18, $0xb8;
	[tilespmem:$0x19890] =	vst v63  }
0x4c: {  	_ =	swait.ge [sflag:s14], $0x800  }
0x4d: {  	s21 =	sadd.s32 $0x1, s21;
	[sflag:s14] =	ssyncset.done $0x0  }
0x4e: {  	p0 =	sne.s32 s21, s12;
	[sflag:s14] =	ssyncadd.s32 $0xFFFFF800  }
.Ltmp2:
0x4f: {  	[bflag:$0x0] =	sbarrier.arrive $0xFFFF;
	(pc) =	sbr.rel @p0 .LBB2_1-.Ltmp2, $4  }
0x50: {  	[hbm:s11], [sflag:s7] =	dma.local [spmem:s13], $0x2712  }
0x51: {  	_ =	swait.ge [sflag:s14], $0x2712  }
0x52: {  	[sflag:s14] =	ssyncset.done $0x0  }
0x53: {  	[sflag:s14] =	ssyncadd.s32 $0xFFFFD8EE  }
0x54: {  	_ =	sfence.sel $0x180000  }
0x55: {  	[bflag:$0x0] =	sbarrier.arrive $0xFFFF  }
0x56: {  	p0 =	sne.s32 s0, $0x0;
	_ =	strace $0x90000047  }
0x57: {  	s0 =	sadd.s32 @!p0 $0x100000, s1;
	[bflag:$0x2] =	sbarrier.arrive $0xFFFF  }
0x58: {  	[sflag:s0] =	ssyncadd.tile.s32 @!p0 $0x1;
	_ =	shalt  }
.Lfunc_end2:
_tile_overlayer_lowered:
.L_overlay_start_2:
0x59: {  	(tag) =	ssettag $0x2  }
0x5a: {  	s0 =	rddreg [dreg:$0x0];
	s2 =	stileid.u32  }
0x5b: {  	s1 =	rddreg [dreg:$0x1];
	p0 =	sne.s32 s2, $0x0  }
0x5c: {  	s3 =	rddreg [dreg:$0x2];
	[bflag:$0x3] =	sbarrier.arrive $0xFFFF;
	s2 =	simm.s32 @!p0 $0x1C02  }
0x5d: {  	[timem:s3], [sflag:s2] =	dma.local @!p0 [hbm:s0], s1  }
0x5e: {  	s0 =	simm.s32 @!p0 $0x2  }
0x5f: {  	_ =	swait.ge @!p0 [sflag:s0], s1  }
0x60: {  	s1 =	ssub.s32 @!p0 $0x0, s1;
	[sflag:s0] =	ssyncset.done @!p0 $0x0  }
0x61: {  	[sflag:s0] =	ssyncadd.s32 @!p0 s1  }
0x62: {  	[bflag:$0x3] =	sbarrier.arrive $0xFFFF  }
0x63: {  	_ =	shalt  }

</sc_bundles>
